<compile_context>
chip_gen: v7x
topology: tpu7x:2x2x1
jax: 0.10.2.dev20260603
libtpu: 0.0.44.dev20260713+nightly
codegen_flags: <defaults>
</compile_context>

<pallas_src>
import functools

import jax
import jax.numpy as jnp
import numpy as np
from jax import lax
from jax.experimental import pallas as pl
from jax.experimental.pallas import tpu as pltpu
from jax.experimental.pallas import tpu_sc as plsc

F = 26
CARD = 100000
D = 32
DP = 128
LANES = 16
NUM_CORES = 2
NUM_SUBCORES = 16
NUM_WORKERS = NUM_CORES * NUM_SUBCORES
W = 416


@functools.lru_cache(maxsize=None)
def _build(total_n, v):
    chunk = total_n // NUM_WORKERS
    n_win = chunk // W
    mesh = plsc.VectorSubcoreMesh(core_axis_name="c", subcore_axis_name="s")

    n_b = total_n // F
    b_chunk = chunk // F
    b_win = W // F

    @functools.partial(
        pl.kernel,
        out_type=jax.ShapeDtypeStruct((n_b, 32, DP), jnp.float32),
        mesh=mesh,
        scratch_types=[
            pltpu.VMEM((W,), jnp.int32),
            pltpu.VMEM((W,), jnp.int32),
            pltpu.VMEM((W,), jnp.int32),
            pltpu.VMEM((F * D,), jnp.float32),
            pltpu.VMEM((W + 16, DP), jnp.float32),
            pltpu.VMEM((W + 16, DP), jnp.float32),
            pltpu.SemaphoreType.DMA,
            pltpu.SemaphoreType.DMA,
        ],
    )
    def k(table_hbm, x_hbm, offs_hbm, bias_hbm, out_hbm,
          idx0_v, idx1_v, offs_v, bias_v, rows0_v, rows1_v, sem0, sem1):
        wid = lax.axis_index("s") * NUM_CORES + lax.axis_index("c")
        pltpu.sync_copy(offs_hbm, offs_v)
        pltpu.sync_copy(bias_hbm, bias_v)

        def fetch(w, idx_v, rows_v, sem):
            base = wid * chunk + w * W
            pltpu.sync_copy(x_hbm.at[pl.ds(base, W)], idx_v)

            @pl.loop(0, W // LANES)
            def _offset_add(i):
                s = pl.ds(i * LANES, LANES)
                idx_v[s] = idx_v[s] + offs_v[s]

            pltpu.async_copy(table_hbm.at[idx_v],
                             rows_v.at[pl.ds(0, W)], sem)

        def process(w, idx_v, rows_v, sem):
            pltpu.make_async_copy(table_hbm.at[idx_v],
                                  rows_v.at[pl.ds(0, W)], sem).wait()

            @pl.loop(0, F)
            def _bias_field(f):
                b0 = bias_v[pl.ds(f * D, LANES)]
                b1 = bias_v[pl.ds(f * D + LANES, LANES)]

                @pl.loop(0, b_win)
                def _bias_row(g):
                    r = g * F + f
                    rows_v[r, pl.ds(0, LANES)] += b0
                    rows_v[r, pl.ds(LANES, LANES)] += b1

            b_base = wid * b_chunk + w * b_win

            @pl.loop(0, b_win)
            def _store_b(g):
                pltpu.sync_copy(rows_v.at[pl.ds(g * F, 32)],
                                out_hbm.at[b_base + g])

        fetch(0, idx0_v, rows0_v, sem0)

        @pl.loop(0, n_win // 2)
        def _pair(p):
            w0 = 2 * p
            fetch(w0 + 1, idx1_v, rows1_v, sem1)
            process(w0, idx0_v, rows0_v, sem0)

            @pl.when(p < n_win // 2 - 1)
            def _prefetch_even():
                fetch(w0 + 2, idx0_v, rows0_v, sem0)

            process(w0 + 1, idx1_v, rows1_v, sem1)

    return k


_OFFS_TILE = np.tile(np.arange(F, dtype=np.int32) * CARD, W // F)

_TC_LANES = 40960


def _transpose_body(x_ref, o_ref):
    o_ref[:, 0:D] = jnp.transpose(x_ref[...], (1, 0))


@functools.lru_cache(maxsize=None)
def _build_transpose(v):
    grid = (v + _TC_LANES - 1) // _TC_LANES
    return pl.pallas_call(
        _transpose_body,
        grid=(grid,),
        in_specs=[pl.BlockSpec((D, _TC_LANES), lambda i: (0, i))],
        out_specs=pl.BlockSpec((_TC_LANES, DP), lambda i: (i, 0)),
        out_shape=jax.ShapeDtypeStruct((v, DP), jnp.float32),
        compiler_params=pltpu.CompilerParams(
            dimension_semantics=("parallel",),
            vmem_limit_bytes=100 * 1024 * 1024),
    )


def kernel(x, table, bias):
    b, f = x.shape
    n = b * f
    v = table.shape[0]
    x_flat = x.reshape(n)
    offs = jnp.asarray(_OFFS_TILE)
    table_p = _build_transpose(v)(table.T)
    out3 = _build(n, v)(table_p, x_flat, offs, bias.reshape(-1))
    return out3[:, :f, :D]

# --- scband reference (transcript-rebuilt; emitter-appended) ---
"""Pipeline reference for scband-categorical-feature-tokenizer-20650202759214 (READ-ONLY COPY).

The authoritative reference and input builder live on the scoring server;
editing this copy changes nothing except your own understanding.
"""

import jax, jax.numpy as jnp
import numpy as np

CARDINALITIES = [100000] * 26
D_TOKEN = 32
BATCH = 16384
N_FIELDS = len(CARDINALITIES)
TOTAL_ROWS = sum(CARDINALITIES)


def setup_inputs(seed: int = 0) -> dict:
    key = jax.random.key(seed)
    k1, k2, k3 = jax.random.split(key, 3)
    x = jax.random.randint(k1, (BATCH, N_FIELDS), 0, 100000, dtype=jnp.int32)
    s = D_TOKEN ** (-0.5)
    table = jax.random.uniform(k2, (TOTAL_ROWS, D_TOKEN), dtype=jnp.float32, minval=-s, maxval=s)
    bias = jax.random.uniform(k3, (N_FIELDS, D_TOKEN), dtype=jnp.float32, minval=-s, maxval=s)
    return {"x": x, "table": table, "bias": bias}


def reference(x, table, bias):
    # category offsets: cumsum of [0] + cardinalities[:-1]
    offsets = jnp.cumsum(jnp.array([0] + CARDINALITIES[:-1], dtype=jnp.int32))
    idx = x + offsets[None]
    out = jnp.take(table, idx, axis=0)  # [B, F, D]
    out = out + bias[None]
    return out

if __name__ == "__main__":
    import jax
    _d = setup_inputs()
    print(jax.jit(kernel)(*tuple(_d.values())))

</pallas_src>

<mosaic_0001>
#map = affine_map<(d0, d1) -> (0, 0)>
#map1 = affine_map<(d0, d1) -> (0)>
#map2 = affine_map<(d0, d1) -> (0, 0, 0)>
module attributes {stable_mosaic.version = 14 : i64} {
  func.func @k(%arg0: i32, %arg1: i32, %arg2: memref<2600000x128xf32, #tpu.memory_space<hbm>>, %arg3: memref<425984xi32, #tpu.memory_space<hbm>>, %arg4: memref<416xi32, #tpu.memory_space<hbm>>, %arg5: memref<832xf32, #tpu.memory_space<hbm>>, %arg6: memref<16384x32x128xf32, #tpu.memory_space<hbm>>, %arg7: memref<416xi32, #tpu.memory_space<vmem>>, %arg8: memref<416xi32, #tpu.memory_space<vmem>>, %arg9: memref<416xi32, #tpu.memory_space<vmem>>, %arg10: memref<832xf32, #tpu.memory_space<vmem>>, %arg11: memref<432x128xf32, #tpu.memory_space<vmem>>, %arg12: memref<432x128xf32, #tpu.memory_space<vmem>>, %arg13: memref<!tpu.dma_semaphore, #tpu.memory_space<semaphore_mem>>, %arg14: memref<!tpu.dma_semaphore, #tpu.memory_space<semaphore_mem>>) attributes {dimension_semantics = [#tpu.dimension_semantics<core_parallel>, #tpu.dimension_semantics<subcore_parallel>], iteration_bounds = array<i64: 2, 16>, scalar_prefetch = 0 : i64, scratch_operands = 8 : i64, tpu.core_type = #tpu.core_type<sc_vector_subcore>, window_params = [{transform_indices = #map}, {transform_indices = #map1}, {transform_indices = #map1}, {transform_indices = #map1}, {transform_indices = #map2}]} {
    %mul3A = arith.constant 2 : i32
    %mul3A_0 = arith.muli %arg1, %mul3A : i32
    %add3A = arith.addi %mul3A_0, %arg0 : i32
    "tpu.region"() ({
      %run_scoped3A = tpu.sem_alloc : memref<!tpu.dma_semaphore, #tpu.memory_space<semaphore_mem>>
      tpu.enqueue_dma source(%arg4 : memref<416xi32, #tpu.memory_space<hbm>>) target(%arg9 : memref<416xi32, #tpu.memory_space<vmem>>) target_semaphore(%run_scoped3A : memref<!tpu.dma_semaphore, #tpu.memory_space<semaphore_mem>>)
      tpu.wait_dma2 semaphore(%run_scoped3A : memref<!tpu.dma_semaphore, #tpu.memory_space<semaphore_mem>>) src(%arg4 : memref<416xi32, #tpu.memory_space<hbm>>) dst(%arg9 : memref<416xi32, #tpu.memory_space<vmem>>)
      tpu.yield
    }) : () -> ()
    "tpu.region"() ({
      %run_scoped3A = tpu.sem_alloc : memref<!tpu.dma_semaphore, #tpu.memory_space<semaphore_mem>>
      tpu.enqueue_dma source(%arg5 : memref<832xf32, #tpu.memory_space<hbm>>) target(%arg10 : memref<832xf32, #tpu.memory_space<vmem>>) target_semaphore(%run_scoped3A : memref<!tpu.dma_semaphore, #tpu.memory_space<semaphore_mem>>)
      tpu.wait_dma2 semaphore(%run_scoped3A : memref<!tpu.dma_semaphore, #tpu.memory_space<semaphore_mem>>) src(%arg5 : memref<832xf32, #tpu.memory_space<hbm>>) dst(%arg10 : memref<832xf32, #tpu.memory_space<vmem>>)
      tpu.yield
    }) : () -> ()
    %mul3A_1 = arith.constant 13312 : i32
    %mul3A_2 = arith.muli %add3A, %mul3A_1 : i32
    %add3A_3 = arith.constant 0 : i32
    %add3A_4 = arith.addi %mul3A_2, %add3A_3 : i32
    "tpu.region"() ({
      %run_scoped3A = tpu.sem_alloc : memref<!tpu.dma_semaphore, #tpu.memory_space<semaphore_mem>>
      %dma_start3A_19 = tpu.memref_slice %arg3[%add3A_4] : memref<425984xi32, #tpu.memory_space<hbm>> -> memref<416xi32, #tpu.memory_space<hbm>>
      %dma_start3A_20 = tpu.memref_slice %arg3[%add3A_4] : memref<425984xi32, #tpu.memory_space<hbm>> -> memref<416xi32, #tpu.memory_space<hbm>>
      tpu.enqueue_dma source(%dma_start3A_20 : memref<416xi32, #tpu.memory_space<hbm>>) target(%arg7 : memref<416xi32, #tpu.memory_space<vmem>>) target_semaphore(%run_scoped3A : memref<!tpu.dma_semaphore, #tpu.memory_space<semaphore_mem>>)
      %dma_wait3A = tpu.memref_slice %arg3[%add3A_4] : memref<425984xi32, #tpu.memory_space<hbm>> -> memref<416xi32, #tpu.memory_space<hbm>>
      %dma_wait3A_21 = tpu.memref_slice %arg3[%add3A_4] : memref<425984xi32, #tpu.memory_space<hbm>> -> memref<416xi32, #tpu.memory_space<hbm>>
      tpu.wait_dma2 semaphore(%run_scoped3A : memref<!tpu.dma_semaphore, #tpu.memory_space<semaphore_mem>>) src(%dma_wait3A_21 : memref<416xi32, #tpu.memory_space<hbm>>) dst(%arg7 : memref<416xi32, #tpu.memory_space<vmem>>)
      tpu.yield
    }) : () -> ()
    %scan3A = arith.constant 0 : i32
    %scan3A_5 = arith.constant 26 : i32
    %scan3A_6 = arith.addi %scan3A, %scan3A_5 : i32
    %scan3A_7 = arith.constant 1 : i32
    scf.for %scan3A_19 = %scan3A to %scan3A_6 step %scan3A_7  : i32 {
      %mul3A_20 = arith.constant 1 : i32
      %mul3A_21 = arith.muli %scan3A_19, %mul3A_20 : i32
      %add3A_22 = arith.constant 0 : i32
      %add3A_23 = arith.addi %add3A_22, %mul3A_21 : i32
      %mul3A_24 = arith.constant 16 : i32
      %mul3A_25 = arith.muli %add3A_23, %mul3A_24 : i32
      %get3A = arith.index_cast %mul3A_25 : i32 to index
      %get3A_26 = tpu.vector_load %arg7[%get3A] {strides = array<i32>} : memref<416xi32, #tpu.memory_space<vmem>>, vector<16xi32>,
      %get3A_27 = vector.shape_cast %get3A_26 : vector<16xi32> to vector<16xi32>
      %get3A_28 = arith.index_cast %mul3A_25 : i32 to index
      %get3A_29 = tpu.vector_load %arg9[%get3A_28] {strides = array<i32>} : memref<416xi32, #tpu.memory_space<vmem>>, vector<16xi32>,
      %get3A_30 = vector.shape_cast %get3A_29 : vector<16xi32> to vector<16xi32>
      %add3A_31 = arith.addi %get3A_27, %get3A_30 : vector<16xi32>
      %swap3A = arith.index_cast %mul3A_25 : i32 to index
      %swap3A_32 = tpu.vector_load %arg7[%swap3A] {strides = array<i32>} : memref<416xi32, #tpu.memory_space<vmem>>, vector<16xi32>,
      %swap3A_33 = vector.shape_cast %swap3A_32 : vector<16xi32> to vector<16xi32>
      %swap3A_34 = vector.shape_cast %add3A_31 : vector<16xi32> to vector<16xi32>
      tpu.vector_store %arg7[%swap3A], %swap3A_34 {strides = array<i32>} : memref<416xi32, #tpu.memory_space<vmem>>, vector<16xi32>,
    }
    %scan3A_8 = arith.constant 26 : i32
    %dma_start3A = arith.constant 0 : i32
    %dma_start3A_9 = arith.constant 0 : i32
    %dma_start3A_10 = tpu.memref_slice %arg11[%dma_start3A, %dma_start3A_9] : memref<432x128xf32, #tpu.memory_space<vmem>> -> memref<416x128xf32, #tpu.memory_space<vmem>>
    %dma_start3A_11 = arith.constant 0 : i32
    %dma_start3A_12 = arith.constant 0 : i32
    %dma_start3A_13 = tpu.memref_slice %arg2[%dma_start3A_11, %dma_start3A_12] : memref<2600000x128xf32, #tpu.memory_space<hbm>> -> memref<2600000x128xf32, #tpu.memory_space<hbm>>
    tpu.enqueue_indirect_dma source(%dma_start3A_13 : memref<2600000x128xf32, #tpu.memory_space<hbm>>) target(%dma_start3A_10 : memref<416x128xf32, #tpu.memory_space<vmem>>) offsets(%arg7 : memref<416xi32, #tpu.memory_space<vmem>>) semaphore(%arg13 : memref<!tpu.dma_semaphore, #tpu.memory_space<semaphore_mem>>)
    %scan3A_14 = arith.constant 0 : i32
    %scan3A_15 = arith.constant 16 : i32
    %scan3A_16 = arith.addi %scan3A_14, %scan3A_15 : i32
    %scan3A_17 = arith.constant 1 : i32
    scf.for %scan3A_19 = %scan3A_14 to %scan3A_16 step %scan3A_17  : i32 {
      %mul3A_20 = arith.constant 1 : i32
      %mul3A_21 = arith.muli %scan3A_19, %mul3A_20 : i32
      %add3A_22 = arith.constant 0 : i32
      %add3A_23 = arith.addi %add3A_22, %mul3A_21 : i32
      %mul3A_24 = arith.constant 2 : i32
      %mul3A_25 = arith.muli %mul3A_24, %add3A_23 : i32
      %add3A_26 = arith.constant 1 : i32
      %add3A_27 = arith.addi %mul3A_25, %add3A_26 : i32
      %mul3A_28 = arith.constant 13312 : i32
      %mul3A_29 = arith.muli %add3A, %mul3A_28 : i32
      %mul3A_30 = arith.constant 416 : i32
      %mul3A_31 = arith.muli %add3A_27, %mul3A_30 : i32
      %add3A_32 = arith.addi %mul3A_29, %mul3A_31 : i32
      "tpu.region"() ({
        %run_scoped3A = tpu.sem_alloc : memref<!tpu.dma_semaphore, #tpu.memory_space<semaphore_mem>>
        %dma_start3A_89 = tpu.memref_slice %arg3[%add3A_32] : memref<425984xi32, #tpu.memory_space<hbm>> -> memref<416xi32, #tpu.memory_space<hbm>>
        %dma_start3A_90 = tpu.memref_slice %arg3[%add3A_32] : memref<425984xi32, #tpu.memory_space<hbm>> -> memref<416xi32, #tpu.memory_space<hbm>>
        tpu.enqueue_dma source(%dma_start3A_90 : memref<416xi32, #tpu.memory_space<hbm>>) target(%arg8 : memref<416xi32, #tpu.memory_space<vmem>>) target_semaphore(%run_scoped3A : memref<!tpu.dma_semaphore, #tpu.memory_space<semaphore_mem>>)
        %dma_wait3A_91 = tpu.memref_slice %arg3[%add3A_32] : memref<425984xi32, #tpu.memory_space<hbm>> -> memref<416xi32, #tpu.memory_space<hbm>>
        %dma_wait3A_92 = tpu.memref_slice %arg3[%add3A_32] : memref<425984xi32, #tpu.memory_space<hbm>> -> memref<416xi32, #tpu.memory_space<hbm>>
        tpu.wait_dma2 semaphore(%run_scoped3A : memref<!tpu.dma_semaphore, #tpu.memory_space<semaphore_mem>>) src(%dma_wait3A_92 : memref<416xi32, #tpu.memory_space<hbm>>) dst(%arg8 : memref<416xi32, #tpu.memory_space<vmem>>)
        tpu.yield
      }) : () -> ()
      %scan3A_33 = arith.constant 0 : i32
      %scan3A_34 = arith.constant 26 : i32
      %scan3A_35 = arith.addi %scan3A_33, %scan3A_34 : i32
      %scan3A_36 = arith.constant 1 : i32
      scf.for %scan3A_89 = %scan3A_33 to %scan3A_35 step %scan3A_36  : i32 {
        %mul3A_90 = arith.constant 1 : i32
        %mul3A_91 = arith.muli %scan3A_89, %mul3A_90 : i32
        %add3A_92 = arith.constant 0 : i32
        %add3A_93 = arith.addi %add3A_92, %mul3A_91 : i32
        %mul3A_94 = arith.constant 16 : i32
        %mul3A_95 = arith.muli %add3A_93, %mul3A_94 : i32
        %get3A = arith.index_cast %mul3A_95 : i32 to index
        %get3A_96 = tpu.vector_load %arg8[%get3A] {strides = array<i32>} : memref<416xi32, #tpu.memory_space<vmem>>, vector<16xi32>,
        %get3A_97 = vector.shape_cast %get3A_96 : vector<16xi32> to vector<16xi32>
        %get3A_98 = arith.index_cast %mul3A_95 : i32 to index
        %get3A_99 = tpu.vector_load %arg9[%get3A_98] {strides = array<i32>} : memref<416xi32, #tpu.memory_space<vmem>>, vector<16xi32>,
        %get3A_100 = vector.shape_cast %get3A_99 : vector<16xi32> to vector<16xi32>
        %add3A_101 = arith.addi %get3A_97, %get3A_100 : vector<16xi32>
        %swap3A = arith.index_cast %mul3A_95 : i32 to index
        %swap3A_102 = tpu.vector_load %arg8[%swap3A] {strides = array<i32>} : memref<416xi32, #tpu.memory_space<vmem>>, vector<16xi32>,
        %swap3A_103 = vector.shape_cast %swap3A_102 : vector<16xi32> to vector<16xi32>
        %swap3A_104 = vector.shape_cast %add3A_101 : vector<16xi32> to vector<16xi32>
        tpu.vector_store %arg8[%swap3A], %swap3A_104 {strides = array<i32>} : memref<416xi32, #tpu.memory_space<vmem>>, vector<16xi32>,
      }
      %scan3A_37 = arith.constant 26 : i32
      %dma_start3A_38 = arith.constant 0 : i32
      %dma_start3A_39 = arith.constant 0 : i32
      %dma_start3A_40 = tpu.memref_slice %arg12[%dma_start3A_38, %dma_start3A_39] : memref<432x128xf32, #tpu.memory_space<vmem>> -> memref<416x128xf32, #tpu.memory_space<vmem>>
      %dma_start3A_41 = arith.constant 0 : i32
      %dma_start3A_42 = arith.constant 0 : i32
      %dma_start3A_43 = tpu.memref_slice %arg2[%dma_start3A_41, %dma_start3A_42] : memref<2600000x128xf32, #tpu.memory_space<hbm>> -> memref<2600000x128xf32, #tpu.memory_space<hbm>>
      tpu.enqueue_indirect_dma source(%dma_start3A_43 : memref<2600000x128xf32, #tpu.memory_space<hbm>>) target(%dma_start3A_40 : memref<416x128xf32, #tpu.memory_space<vmem>>) offsets(%arg8 : memref<416xi32, #tpu.memory_space<vmem>>) semaphore(%arg14 : memref<!tpu.dma_semaphore, #tpu.memory_space<semaphore_mem>>)
      %dma_wait3A = arith.constant 0 : i32
      %dma_wait3A_44 = arith.constant 0 : i32
      %dma_wait3A_45 = tpu.memref_slice %arg11[%dma_wait3A, %dma_wait3A_44] : memref<432x128xf32, #tpu.memory_space<vmem>> -> memref<416x128xf32, #tpu.memory_space<vmem>>
      %dma_wait3A_46 = arith.constant 0 : i32
      %dma_wait3A_47 = arith.constant 0 : i32
      %dma_wait3A_48 = tpu.memref_slice %arg2[%dma_wait3A_46, %dma_wait3A_47] : memref<2600000x128xf32, #tpu.memory_space<hbm>> -> memref<2600000x128xf32, #tpu.memory_space<hbm>>
      tpu.wait_indirect_dma semaphore(%arg13 : memref<!tpu.dma_semaphore, #tpu.memory_space<semaphore_mem>>) src(%dma_wait3A_48 : memref<2600000x128xf32, #tpu.memory_space<hbm>>) dst(%dma_wait3A_45 : memref<416x128xf32, #tpu.memory_space<vmem>>)
      %scan3A_49 = arith.constant 0 : i32
      %scan3A_50 = arith.constant 26 : i32
      %scan3A_51 = arith.addi %scan3A_49, %scan3A_50 : i32
      %scan3A_52 = arith.constant 1 : i32
      scf.for %scan3A_89 = %scan3A_49 to %scan3A_51 step %scan3A_52  : i32 {
        %mul3A_90 = arith.constant 1 : i32
        %mul3A_91 = arith.muli %scan3A_89, %mul3A_90 : i32
        %add3A_92 = arith.constant 0 : i32
        %add3A_93 = arith.addi %add3A_92, %mul3A_91 : i32
        %mul3A_94 = arith.constant 32 : i32
        %mul3A_95 = arith.muli %add3A_93, %mul3A_94 : i32
        %get3A = arith.index_cast %mul3A_95 : i32 to index
        %get3A_96 = tpu.vector_load %arg10[%get3A] {strides = array<i32>} : memref<832xf32, #tpu.memory_space<vmem>>, vector<16xf32>,
        %get3A_97 = vector.shape_cast %get3A_96 : vector<16xf32> to vector<16xf32>
        %mul3A_98 = arith.constant 32 : i32
        %mul3A_99 = arith.muli %add3A_93, %mul3A_98 : i32
        %add3A_100 = arith.constant 16 : i32
        %add3A_101 = arith.addi %mul3A_99, %add3A_100 : i32
        %get3A_102 = arith.index_cast %add3A_101 : i32 to index
        %get3A_103 = tpu.vector_load %arg10[%get3A_102] {strides = array<i32>} : memref<832xf32, #tpu.memory_space<vmem>>, vector<16xf32>,
        %get3A_104 = vector.shape_cast %get3A_103 : vector<16xf32> to vector<16xf32>
        %scan3A_105 = arith.constant 0 : i32
        %scan3A_106 = arith.constant 16 : i32
        %scan3A_107 = arith.addi %scan3A_105, %scan3A_106 : i32
        %scan3A_108 = arith.constant 1 : i32
        scf.for %scan3A_110 = %scan3A_105 to %scan3A_107 step %scan3A_108  : i32 {
          %mul3A_111 = arith.constant 1 : i32
          %mul3A_112 = arith.muli %scan3A_110, %mul3A_111 : i32
          %add3A_113 = arith.constant 0 : i32
          %add3A_114 = arith.addi %add3A_113, %mul3A_112 : i32
          %mul3A_115 = arith.constant 26 : i32
          %mul3A_116 = arith.muli %add3A_114, %mul3A_115 : i32
          %add3A_117 = arith.addi %mul3A_116, %add3A_93 : i32
          %get3A_118 = arith.index_cast %add3A_117 : i32 to index
          %get3A_119 = arith.constant 0 : index
          %get3A_120 = tpu.vector_load %arg11[%get3A_118, %get3A_119] {strides = array<i32>} : memref<432x128xf32, #tpu.memory_space<vmem>>, vector<1x16xf32>,
          %get3A_121 = vector.shape_cast %get3A_120 : vector<1x16xf32> to vector<16xf32>
          %add3A_122 = arith.addf %get3A_121, %get3A_97 : vector<16xf32>
          %swap3A = arith.index_cast %add3A_117 : i32 to index
          %swap3A_123 = arith.constant 0 : index
          %swap3A_124 = tpu.vector_load %arg11[%swap3A, %swap3A_123] {strides = array<i32>} : memref<432x128xf32, #tpu.memory_space<vmem>>, vector<1x16xf32>,
          %swap3A_125 = vector.shape_cast %swap3A_124 : vector<1x16xf32> to vector<16xf32>
          %swap3A_126 = vector.shape_cast %add3A_122 : vector<16xf32> to vector<1x16xf32>
          tpu.vector_store %arg11[%swap3A, %swap3A_123], %swap3A_126 {strides = array<i32>} : memref<432x128xf32, #tpu.memory_space<vmem>>, vector<1x16xf32>,
          %get3A_127 = arith.index_cast %add3A_117 : i32 to index
          %get3A_128 = arith.constant 16 : index
          %get3A_129 = tpu.vector_load %arg11[%get3A_127, %get3A_128] {strides = array<i32>} : memref<432x128xf32, #tpu.memory_space<vmem>>, vector<1x16xf32>,
          %get3A_130 = vector.shape_cast %get3A_129 : vector<1x16xf32> to vector<16xf32>
          %add3A_131 = arith.addf %get3A_130, %get3A_104 : vector<16xf32>
          %swap3A_132 = arith.index_cast %add3A_117 : i32 to index
          %swap3A_133 = arith.constant 16 : index
          %swap3A_134 = tpu.vector_load %arg11[%swap3A_132, %swap3A_133] {strides = array<i32>} : memref<432x128xf32, #tpu.memory_space<vmem>>, vector<1x16xf32>,
          %swap3A_135 = vector.shape_cast %swap3A_134 : vector<1x16xf32> to vector<16xf32>
          %swap3A_136 = vector.shape_cast %add3A_131 : vector<16xf32> to vector<1x16xf32>
          tpu.vector_store %arg11[%swap3A_132, %swap3A_133], %swap3A_136 {strides = array<i32>} : memref<432x128xf32, #tpu.memory_space<vmem>>, vector<1x16xf32>,
        }
        %scan3A_109 = arith.constant 16 : i32
      }
      %scan3A_53 = arith.constant 26 : i32
      %mul3A_54 = arith.constant 512 : i32
      %mul3A_55 = arith.muli %add3A, %mul3A_54 : i32
      %mul3A_56 = arith.constant 16 : i32
      %mul3A_57 = arith.muli %mul3A_25, %mul3A_56 : i32
      %add3A_58 = arith.addi %mul3A_55, %mul3A_57 : i32
      %scan3A_59 = arith.constant 0 : i32
      %scan3A_60 = arith.constant 16 : i32
      %scan3A_61 = arith.addi %scan3A_59, %scan3A_60 : i32
      %scan3A_62 = arith.constant 1 : i32
      scf.for %scan3A_89 = %scan3A_59 to %scan3A_61 step %scan3A_62  : i32 {
        %mul3A_90 = arith.constant 1 : i32
        %mul3A_91 = arith.muli %scan3A_89, %mul3A_90 : i32
        %add3A_92 = arith.constant 0 : i32
        %add3A_93 = arith.addi %add3A_92, %mul3A_91 : i32
        %mul3A_94 = arith.constant 26 : i32
        %mul3A_95 = arith.muli %add3A_93, %mul3A_94 : i32
        %add3A_96 = arith.addi %add3A_58, %add3A_93 : i32
        "tpu.region"() ({
          %run_scoped3A = tpu.sem_alloc : memref<!tpu.dma_semaphore, #tpu.memory_space<semaphore_mem>>
          %dma_start3A_97 = arith.constant 0 : i32
          %dma_start3A_98 = tpu.memref_slice %arg11[%mul3A_95, %dma_start3A_97] : memref<432x128xf32, #tpu.memory_space<vmem>> -> memref<32x128xf32, #tpu.memory_space<vmem>>
          %dma_start3A_99 = arith.constant 0 : i32
          %dma_start3A_100 = arith.constant 0 : i32
          %dma_start3A_101 = tpu.memref_slice %arg6[%add3A_96, %dma_start3A_99, %dma_start3A_100] : memref<16384x32x128xf32, #tpu.memory_space<hbm>> -> memref<1x32x128xf32, #tpu.memory_space<hbm>>
          %dma_start3A_102 = tpu.memref_squeeze %dma_start3A_101 : memref<1x32x128xf32, #tpu.memory_space<hbm>> -> memref<32x128xf32, #tpu.memory_space<hbm>>
          %dma_start3A_103 = arith.constant 0 : i32
          %dma_start3A_104 = arith.constant 0 : i32
          %dma_start3A_105 = tpu.memref_slice %arg6[%add3A_96, %dma_start3A_103, %dma_start3A_104] : memref<16384x32x128xf32, #tpu.memory_space<hbm>> -> memref<1x32x128xf32, #tpu.memory_space<hbm>>
          %dma_start3A_106 = tpu.memref_squeeze %dma_start3A_105 : memref<1x32x128xf32, #tpu.memory_space<hbm>> -> memref<32x128xf32, #tpu.memory_space<hbm>>
          %dma_start3A_107 = arith.constant 0 : i32
          %dma_start3A_108 = tpu.memref_slice %arg11[%mul3A_95, %dma_start3A_107] : memref<432x128xf32, #tpu.memory_space<vmem>> -> memref<32x128xf32, #tpu.memory_space<vmem>>
          tpu.enqueue_dma source(%dma_start3A_108 : memref<32x128xf32, #tpu.memory_space<vmem>>) target(%dma_start3A_106 : memref<32x128xf32, #tpu.memory_space<hbm>>) target_semaphore(%run_scoped3A : memref<!tpu.dma_semaphore, #tpu.memory_space<semaphore_mem>>)
          %dma_wait3A_109 = arith.constant 0 : i32
          %dma_wait3A_110 = tpu.memref_slice %arg11[%mul3A_95, %dma_wait3A_109] : memref<432x128xf32, #tpu.memory_space<vmem>> -> memref<32x128xf32, #tpu.memory_space<vmem>>
          %dma_wait3A_111 = arith.constant 0 : i32
          %dma_wait3A_112 = arith.constant 0 : i32
          %dma_wait3A_113 = tpu.memref_slice %arg6[%add3A_96, %dma_wait3A_111, %dma_wait3A_112] : memref<16384x32x128xf32, #tpu.memory_space<hbm>> -> memref<1x32x128xf32, #tpu.memory_space<hbm>>
          %dma_wait3A_114 = tpu.memref_squeeze %dma_wait3A_113 : memref<1x32x128xf32, #tpu.memory_space<hbm>> -> memref<32x128xf32, #tpu.memory_space<hbm>>
          %dma_wait3A_115 = arith.constant 0 : i32
          %dma_wait3A_116 = arith.constant 0 : i32
          %dma_wait3A_117 = tpu.memref_slice %arg6[%add3A_96, %dma_wait3A_115, %dma_wait3A_116] : memref<16384x32x128xf32, #tpu.memory_space<hbm>> -> memref<1x32x128xf32, #tpu.memory_space<hbm>>
          %dma_wait3A_118 = tpu.memref_squeeze %dma_wait3A_117 : memref<1x32x128xf32, #tpu.memory_space<hbm>> -> memref<32x128xf32, #tpu.memory_space<hbm>>
          %dma_wait3A_119 = arith.constant 0 : i32
          %dma_wait3A_120 = tpu.memref_slice %arg11[%mul3A_95, %dma_wait3A_119] : memref<432x128xf32, #tpu.memory_space<vmem>> -> memref<32x128xf32, #tpu.memory_space<vmem>>
          tpu.wait_dma2 semaphore(%run_scoped3A : memref<!tpu.dma_semaphore, #tpu.memory_space<semaphore_mem>>) src(%dma_wait3A_120 : memref<32x128xf32, #tpu.memory_space<vmem>>) dst(%dma_wait3A_118 : memref<32x128xf32, #tpu.memory_space<hbm>>)
          tpu.yield
        }) : () -> ()
      }
      %scan3A_63 = arith.constant 16 : i32
      %lt3A = arith.constant 15 : i32
      %lt3A_64 = arith.cmpi slt, %add3A_23, %lt3A : i32
      %convert_element_type3A = arith.extui %lt3A_64 : i1 to i32
      %cond3A = arith.constant 0 : i32
      %cond3A_65 = arith.cmpi ne, %convert_element_type3A, %cond3A : i32
      scf.if %cond3A_65 {
        %add3A_89 = arith.constant 2 : i32
        %add3A_90 = arith.addi %mul3A_25, %add3A_89 : i32
        %mul3A_91 = arith.constant 13312 : i32
        %mul3A_92 = arith.muli %add3A, %mul3A_91 : i32
        %mul3A_93 = arith.constant 416 : i32
        %mul3A_94 = arith.muli %add3A_90, %mul3A_93 : i32
        %add3A_95 = arith.addi %mul3A_92, %mul3A_94 : i32
        "tpu.region"() ({
          %run_scoped3A = tpu.sem_alloc : memref<!tpu.dma_semaphore, #tpu.memory_space<semaphore_mem>>
          %dma_start3A_107 = tpu.memref_slice %arg3[%add3A_95] : memref<425984xi32, #tpu.memory_space<hbm>> -> memref<416xi32, #tpu.memory_space<hbm>>
          %dma_start3A_108 = tpu.memref_slice %arg3[%add3A_95] : memref<425984xi32, #tpu.memory_space<hbm>> -> memref<416xi32, #tpu.memory_space<hbm>>
          tpu.enqueue_dma source(%dma_start3A_108 : memref<416xi32, #tpu.memory_space<hbm>>) target(%arg7 : memref<416xi32, #tpu.memory_space<vmem>>) target_semaphore(%run_scoped3A : memref<!tpu.dma_semaphore, #tpu.memory_space<semaphore_mem>>)
          %dma_wait3A_109 = tpu.memref_slice %arg3[%add3A_95] : memref<425984xi32, #tpu.memory_space<hbm>> -> memref<416xi32, #tpu.memory_space<hbm>>
          %dma_wait3A_110 = tpu.memref_slice %arg3[%add3A_95] : memref<425984xi32, #tpu.memory_space<hbm>> -> memref<416xi32, #tpu.memory_space<hbm>>
          tpu.wait_dma2 semaphore(%run_scoped3A : memref<!tpu.dma_semaphore, #tpu.memory_space<semaphore_mem>>) src(%dma_wait3A_110 : memref<416xi32, #tpu.memory_space<hbm>>) dst(%arg7 : memref<416xi32, #tpu.memory_space<vmem>>)
          tpu.yield
        }) : () -> ()
        %scan3A_96 = arith.constant 0 : i32
        %scan3A_97 = arith.constant 26 : i32
        %scan3A_98 = arith.addi %scan3A_96, %scan3A_97 : i32
        %scan3A_99 = arith.constant 1 : i32
        scf.for %scan3A_107 = %scan3A_96 to %scan3A_98 step %scan3A_99  : i32 {
          %mul3A_108 = arith.constant 1 : i32
          %mul3A_109 = arith.muli %scan3A_107, %mul3A_108 : i32
          %add3A_110 = arith.constant 0 : i32
          %add3A_111 = arith.addi %add3A_110, %mul3A_109 : i32
          %mul3A_112 = arith.constant 16 : i32
          %mul3A_113 = arith.muli %add3A_111, %mul3A_112 : i32
          %get3A = arith.index_cast %mul3A_113 : i32 to index
          %get3A_114 = tpu.vector_load %arg7[%get3A] {strides = array<i32>} : memref<416xi32, #tpu.memory_space<vmem>>, vector<16xi32>,
          %get3A_115 = vector.shape_cast %get3A_114 : vector<16xi32> to vector<16xi32>
          %get3A_116 = arith.index_cast %mul3A_113 : i32 to index
          %get3A_117 = tpu.vector_load %arg9[%get3A_116] {strides = array<i32>} : memref<416xi32, #tpu.memory_space<vmem>>, vector<16xi32>,
          %get3A_118 = vector.shape_cast %get3A_117 : vector<16xi32> to vector<16xi32>
          %add3A_119 = arith.addi %get3A_115, %get3A_118 : vector<16xi32>
          %swap3A = arith.index_cast %mul3A_113 : i32 to index
          %swap3A_120 = tpu.vector_load %arg7[%swap3A] {strides = array<i32>} : memref<416xi32, #tpu.memory_space<vmem>>, vector<16xi32>,
          %swap3A_121 = vector.shape_cast %swap3A_120 : vector<16xi32> to vector<16xi32>
          %swap3A_122 = vector.shape_cast %add3A_119 : vector<16xi32> to vector<16xi32>
          tpu.vector_store %arg7[%swap3A], %swap3A_122 {strides = array<i32>} : memref<416xi32, #tpu.memory_space<vmem>>, vector<16xi32>,
        }
        %scan3A_100 = arith.constant 26 : i32
        %dma_start3A_101 = arith.constant 0 : i32
        %dma_start3A_102 = arith.constant 0 : i32
        %dma_start3A_103 = tpu.memref_slice %arg11[%dma_start3A_101, %dma_start3A_102] : memref<432x128xf32, #tpu.memory_space<vmem>> -> memref<416x128xf32, #tpu.memory_space<vmem>>
        %dma_start3A_104 = arith.constant 0 : i32
        %dma_start3A_105 = arith.constant 0 : i32
        %dma_start3A_106 = tpu.memref_slice %arg2[%dma_start3A_104, %dma_start3A_105] : memref<2600000x128xf32, #tpu.memory_space<hbm>> -> memref<2600000x128xf32, #tpu.memory_space<hbm>>
        tpu.enqueue_indirect_dma source(%dma_start3A_106 : memref<2600000x128xf32, #tpu.memory_space<hbm>>) target(%dma_start3A_103 : memref<416x128xf32, #tpu.memory_space<vmem>>) offsets(%arg7 : memref<416xi32, #tpu.memory_space<vmem>>) semaphore(%arg13 : memref<!tpu.dma_semaphore, #tpu.memory_space<semaphore_mem>>)
      } else {
      }
      %add3A_66 = arith.constant 1 : i32
      %add3A_67 = arith.addi %mul3A_25, %add3A_66 : i32
      %dma_wait3A_68 = arith.constant 0 : i32
      %dma_wait3A_69 = arith.constant 0 : i32
      %dma_wait3A_70 = tpu.memref_slice %arg12[%dma_wait3A_68, %dma_wait3A_69] : memref<432x128xf32, #tpu.memory_space<vmem>> -> memref<416x128xf32, #tpu.memory_space<vmem>>
      %dma_wait3A_71 = arith.constant 0 : i32
      %dma_wait3A_72 = arith.constant 0 : i32
      %dma_wait3A_73 = tpu.memref_slice %arg2[%dma_wait3A_71, %dma_wait3A_72] : memref<2600000x128xf32, #tpu.memory_space<hbm>> -> memref<2600000x128xf32, #tpu.memory_space<hbm>>
      tpu.wait_indirect_dma semaphore(%arg14 : memref<!tpu.dma_semaphore, #tpu.memory_space<semaphore_mem>>) src(%dma_wait3A_73 : memref<2600000x128xf32, #tpu.memory_space<hbm>>) dst(%dma_wait3A_70 : memref<416x128xf32, #tpu.memory_space<vmem>>)
      %scan3A_74 = arith.constant 0 : i32
      %scan3A_75 = arith.constant 26 : i32
      %scan3A_76 = arith.addi %scan3A_74, %scan3A_75 : i32
      %scan3A_77 = arith.constant 1 : i32
      scf.for %scan3A_89 = %scan3A_74 to %scan3A_76 step %scan3A_77  : i32 {
        %mul3A_90 = arith.constant 1 : i32
        %mul3A_91 = arith.muli %scan3A_89, %mul3A_90 : i32
        %add3A_92 = arith.constant 0 : i32
        %add3A_93 = arith.addi %add3A_92, %mul3A_91 : i32
        %mul3A_94 = arith.constant 32 : i32
        %mul3A_95 = arith.muli %add3A_93, %mul3A_94 : i32
        %get3A = arith.index_cast %mul3A_95 : i32 to index
        %get3A_96 = tpu.vector_load %arg10[%get3A] {strides = array<i32>} : memref<832xf32, #tpu.memory_space<vmem>>, vector<16xf32>,
        %get3A_97 = vector.shape_cast %get3A_96 : vector<16xf32> to vector<16xf32>
        %mul3A_98 = arith.constant 32 : i32
        %mul3A_99 = arith.muli %add3A_93, %mul3A_98 : i32
        %add3A_100 = arith.constant 16 : i32
        %add3A_101 = arith.addi %mul3A_99, %add3A_100 : i32
        %get3A_102 = arith.index_cast %add3A_101 : i32 to index
        %get3A_103 = tpu.vector_load %arg10[%get3A_102] {strides = array<i32>} : memref<832xf32, #tpu.memory_space<vmem>>, vector<16xf32>,
        %get3A_104 = vector.shape_cast %get3A_103 : vector<16xf32> to vector<16xf32>
        %scan3A_105 = arith.constant 0 : i32
        %scan3A_106 = arith.constant 16 : i32
        %scan3A_107 = arith.addi %scan3A_105, %scan3A_106 : i32
        %scan3A_108 = arith.constant 1 : i32
        scf.for %scan3A_110 = %scan3A_105 to %scan3A_107 step %scan3A_108  : i32 {
          %mul3A_111 = arith.constant 1 : i32
          %mul3A_112 = arith.muli %scan3A_110, %mul3A_111 : i32
          %add3A_113 = arith.constant 0 : i32
          %add3A_114 = arith.addi %add3A_113, %mul3A_112 : i32
          %mul3A_115 = arith.constant 26 : i32
          %mul3A_116 = arith.muli %add3A_114, %mul3A_115 : i32
          %add3A_117 = arith.addi %mul3A_116, %add3A_93 : i32
          %get3A_118 = arith.index_cast %add3A_117 : i32 to index
          %get3A_119 = arith.constant 0 : index
          %get3A_120 = tpu.vector_load %arg12[%get3A_118, %get3A_119] {strides = array<i32>} : memref<432x128xf32, #tpu.memory_space<vmem>>, vector<1x16xf32>,
          %get3A_121 = vector.shape_cast %get3A_120 : vector<1x16xf32> to vector<16xf32>
          %add3A_122 = arith.addf %get3A_121, %get3A_97 : vector<16xf32>
          %swap3A = arith.index_cast %add3A_117 : i32 to index
          %swap3A_123 = arith.constant 0 : index
          %swap3A_124 = tpu.vector_load %arg12[%swap3A, %swap3A_123] {strides = array<i32>} : memref<432x128xf32, #tpu.memory_space<vmem>>, vector<1x16xf32>,
          %swap3A_125 = vector.shape_cast %swap3A_124 : vector<1x16xf32> to vector<16xf32>
          %swap3A_126 = vector.shape_cast %add3A_122 : vector<16xf32> to vector<1x16xf32>
          tpu.vector_store %arg12[%swap3A, %swap3A_123], %swap3A_126 {strides = array<i32>} : memref<432x128xf32, #tpu.memory_space<vmem>>, vector<1x16xf32>,
          %get3A_127 = arith.index_cast %add3A_117 : i32 to index
          %get3A_128 = arith.constant 16 : index
          %get3A_129 = tpu.vector_load %arg12[%get3A_127, %get3A_128] {strides = array<i32>} : memref<432x128xf32, #tpu.memory_space<vmem>>, vector<1x16xf32>,
          %get3A_130 = vector.shape_cast %get3A_129 : vector<1x16xf32> to vector<16xf32>
          %add3A_131 = arith.addf %get3A_130, %get3A_104 : vector<16xf32>
          %swap3A_132 = arith.index_cast %add3A_117 : i32 to index
          %swap3A_133 = arith.constant 16 : index
          %swap3A_134 = tpu.vector_load %arg12[%swap3A_132, %swap3A_133] {strides = array<i32>} : memref<432x128xf32, #tpu.memory_space<vmem>>, vector<1x16xf32>,
          %swap3A_135 = vector.shape_cast %swap3A_134 : vector<1x16xf32> to vector<16xf32>
          %swap3A_136 = vector.shape_cast %add3A_131 : vector<16xf32> to vector<1x16xf32>
          tpu.vector_store %arg12[%swap3A_132, %swap3A_133], %swap3A_136 {strides = array<i32>} : memref<432x128xf32, #tpu.memory_space<vmem>>, vector<1x16xf32>,
        }
        %scan3A_109 = arith.constant 16 : i32
      }
      %scan3A_78 = arith.constant 26 : i32
      %mul3A_79 = arith.constant 512 : i32
      %mul3A_80 = arith.muli %add3A, %mul3A_79 : i32
      %mul3A_81 = arith.constant 16 : i32
      %mul3A_82 = arith.muli %add3A_67, %mul3A_81 : i32
      %add3A_83 = arith.addi %mul3A_80, %mul3A_82 : i32
      %scan3A_84 = arith.constant 0 : i32
      %scan3A_85 = arith.constant 16 : i32
      %scan3A_86 = arith.addi %scan3A_84, %scan3A_85 : i32
      %scan3A_87 = arith.constant 1 : i32
      scf.for %scan3A_89 = %scan3A_84 to %scan3A_86 step %scan3A_87  : i32 {
        %mul3A_90 = arith.constant 1 : i32
        %mul3A_91 = arith.muli %scan3A_89, %mul3A_90 : i32
        %add3A_92 = arith.constant 0 : i32
        %add3A_93 = arith.addi %add3A_92, %mul3A_91 : i32
        %mul3A_94 = arith.constant 26 : i32
        %mul3A_95 = arith.muli %add3A_93, %mul3A_94 : i32
        %add3A_96 = arith.addi %add3A_83, %add3A_93 : i32
        "tpu.region"() ({
          %run_scoped3A = tpu.sem_alloc : memref<!tpu.dma_semaphore, #tpu.memory_space<semaphore_mem>>
          %dma_start3A_97 = arith.constant 0 : i32
          %dma_start3A_98 = tpu.memref_slice %arg12[%mul3A_95, %dma_start3A_97] : memref<432x128xf32, #tpu.memory_space<vmem>> -> memref<32x128xf32, #tpu.memory_space<vmem>>
          %dma_start3A_99 = arith.constant 0 : i32
          %dma_start3A_100 = arith.constant 0 : i32
          %dma_start3A_101 = tpu.memref_slice %arg6[%add3A_96, %dma_start3A_99, %dma_start3A_100] : memref<16384x32x128xf32, #tpu.memory_space<hbm>> -> memref<1x32x128xf32, #tpu.memory_space<hbm>>
          %dma_start3A_102 = tpu.memref_squeeze %dma_start3A_101 : memref<1x32x128xf32, #tpu.memory_space<hbm>> -> memref<32x128xf32, #tpu.memory_space<hbm>>
          %dma_start3A_103 = arith.constant 0 : i32
          %dma_start3A_104 = arith.constant 0 : i32
          %dma_start3A_105 = tpu.memref_slice %arg6[%add3A_96, %dma_start3A_103, %dma_start3A_104] : memref<16384x32x128xf32, #tpu.memory_space<hbm>> -> memref<1x32x128xf32, #tpu.memory_space<hbm>>
          %dma_start3A_106 = tpu.memref_squeeze %dma_start3A_105 : memref<1x32x128xf32, #tpu.memory_space<hbm>> -> memref<32x128xf32, #tpu.memory_space<hbm>>
          %dma_start3A_107 = arith.constant 0 : i32
          %dma_start3A_108 = tpu.memref_slice %arg12[%mul3A_95, %dma_start3A_107] : memref<432x128xf32, #tpu.memory_space<vmem>> -> memref<32x128xf32, #tpu.memory_space<vmem>>
          tpu.enqueue_dma source(%dma_start3A_108 : memref<32x128xf32, #tpu.memory_space<vmem>>) target(%dma_start3A_106 : memref<32x128xf32, #tpu.memory_space<hbm>>) target_semaphore(%run_scoped3A : memref<!tpu.dma_semaphore, #tpu.memory_space<semaphore_mem>>)
          %dma_wait3A_109 = arith.constant 0 : i32
          %dma_wait3A_110 = tpu.memref_slice %arg12[%mul3A_95, %dma_wait3A_109] : memref<432x128xf32, #tpu.memory_space<vmem>> -> memref<32x128xf32, #tpu.memory_space<vmem>>
          %dma_wait3A_111 = arith.constant 0 : i32
          %dma_wait3A_112 = arith.constant 0 : i32
          %dma_wait3A_113 = tpu.memref_slice %arg6[%add3A_96, %dma_wait3A_111, %dma_wait3A_112] : memref<16384x32x128xf32, #tpu.memory_space<hbm>> -> memref<1x32x128xf32, #tpu.memory_space<hbm>>
          %dma_wait3A_114 = tpu.memref_squeeze %dma_wait3A_113 : memref<1x32x128xf32, #tpu.memory_space<hbm>> -> memref<32x128xf32, #tpu.memory_space<hbm>>
          %dma_wait3A_115 = arith.constant 0 : i32
          %dma_wait3A_116 = arith.constant 0 : i32
          %dma_wait3A_117 = tpu.memref_slice %arg6[%add3A_96, %dma_wait3A_115, %dma_wait3A_116] : memref<16384x32x128xf32, #tpu.memory_space<hbm>> -> memref<1x32x128xf32, #tpu.memory_space<hbm>>
          %dma_wait3A_118 = tpu.memref_squeeze %dma_wait3A_117 : memref<1x32x128xf32, #tpu.memory_space<hbm>> -> memref<32x128xf32, #tpu.memory_space<hbm>>
          %dma_wait3A_119 = arith.constant 0 : i32
          %dma_wait3A_120 = tpu.memref_slice %arg12[%mul3A_95, %dma_wait3A_119] : memref<432x128xf32, #tpu.memory_space<vmem>> -> memref<32x128xf32, #tpu.memory_space<vmem>>
          tpu.wait_dma2 semaphore(%run_scoped3A : memref<!tpu.dma_semaphore, #tpu.memory_space<semaphore_mem>>) src(%dma_wait3A_120 : memref<32x128xf32, #tpu.memory_space<vmem>>) dst(%dma_wait3A_118 : memref<32x128xf32, #tpu.memory_space<hbm>>)
          tpu.yield
        }) : () -> ()
      }
      %scan3A_88 = arith.constant 16 : i32
    }
    %scan3A_18 = arith.constant 16 : i32
    return
  }
}

module attributes {stable_mosaic.version = 14 : i64} {
  func.func @_transpose_body(%arg0: i32, %arg1: memref<32x40960xf32, #tpu.memory_space<vmem>>, %arg2: memref<40960x128xf32, #tpu.memory_space<vmem>>) attributes {dimension_semantics = [#tpu.dimension_semantics<parallel>], iteration_bounds = array<i64: 64>, scalar_prefetch = 0 : i64, scratch_operands = 0 : i64, tpu.core_type = #tpu.core_type<tc>, window_params = [{transform_indices = @transform_0, window_bounds = array<i64: 32, 40960>}, {transform_indices = @transform_1, window_bounds = array<i64: 40960, 128>}]} {
    %get3A = arith.constant 0 : index
    %get3A_0 = arith.constant 0 : index
    %get3A_1 = vector.load %arg1[%get3A, %get3A_0] : memref<32x40960xf32, #tpu.memory_space<vmem>>, vector<32x40960xf32>
    %transpose3A = tpu.transpose %get3A_1, [1, 0] : vector<32x40960xf32> -> vector<40960x32xf32>
    %swap3A = arith.constant 0 : index
    %swap3A_2 = arith.constant 0 : index
    %swap3A_3 = vector.load %arg2[%swap3A, %swap3A_2] : memref<40960x128xf32, #tpu.memory_space<vmem>>, vector<40960x32xf32>
    tpu.vector_store %arg2[%swap3A, %swap3A_2], %transpose3A {strides = array<i32>} : memref<40960x128xf32, #tpu.memory_space<vmem>>, vector<40960x32xf32>,
    return
  }
  func.func @transform_0(%arg0: i32) -> (i32, i32) {
    %c0_i32 = arith.constant 0 : i32
    %c0_i32_0 = arith.constant 0 : i32
    return %c0_i32, %arg0 : i32, i32
  }
  func.func @transform_1(%arg0: i32) -> (i32, i32) {
    %c0_i32 = arith.constant 0 : i32
    %c0_i32_0 = arith.constant 0 : i32
    return %arg0, %c0_i32 : i32, i32
  }
}

</mosaic_0001>

<sc_bundles>
// kernel: kernel.4.cloned.1.call-start
scs
__scs_entry_jumppad:
0x0: {  	(pc) =	sbr.rel $0x88, $3  }
0x1: {  	(tag) =	ssettag $0x0;
	lr =	simm.s32 $0x1  }
0x2: {  	[smem:$0x3F9E] =	sst lr;
	_ =	strace $0xD0000000  }
0x3: {  	_ = 	snop  }
0x4: {  	_ = 	snop  }
0x5: {  	_ = 	snop  }
0x6: {  	_ = 	snop  }
0x7: {  	_ = 	snop  }
__scs_overlays_trampoline_lowered:
0x8: {  	[smem:$0x3FAD] =	sst s0  }
0x9: {  	[smem:$0x3FAE] =	sst s1  }
0xa: {  	[smem:$0x3FAF] =	sst s2  }
0xb: {  	[smem:$0x3FB0] =	sst s3  }
0xc: {  	[smem:$0x3FB1] =	sst s4  }
0xd: {  	[smem:$0x3FB2] =	sst s5  }
0xe: {  	[smem:$0x3FB3] =	sst s6  }
0xf: {  	[smem:$0x3FB4] =	sst s7  }
0x10: {  	[smem:$0x3FB5] =	sst s8  }
0x11: {  	[smem:$0x3FB6] =	sst s9;
	s0 =	simm.s32 @!p0 $0x0  }
0x12: {  	s1 =	sld [smem:$0x3F9C];
	s0 =	simm.s32 @p0 $0x1  }
0x13: {  	[smem:$0x3FB7] =	sst s0;
	s0 =	simm.s32 @!p1 $0x0  }
0x14: {  	s2 =	sld [smem:$0x3F9B];
	s0 =	simm.s32 @p1 $0x1  }
0x15: {  	[smem:$0x3FB8] =	sst s0;
	s0 =	simm.s32 @!p2 $0x0  }
0x16: {  	s3 =	sld [smem:$0x3FDB];
	s0 =	simm.s32 @p2 $0x1  }
0x17: {  	s4 =	simm.s32 $0x1BF5;
	[smem:$0x3FBA] =	sst s0  }
0x18: {  	s0 =	sld [smem:$0x3F9D];
	_ =	swait.ge [sflag:s4], $0x0  }
0x19: {  	s7 =	sld [smem:$0x3F9E]  }
0x1a: {  	s8 =	sadd.s32 $0xFFFFE003, lr  }
0x1b: {  	s9 =	sadd.s32 $0xFFFFFEF7, lr;
	s5 =	simm.s32 $0xFFFFFFFF;
	p2 =	slt.u32 s8, $0xFFFFF086  }
0x1c: {  	p1 =	slt.u32 s9, $0xF7A;
	s5 =	simm.s32 @!p2 $0x0  }
0x1d: {  	s5 =	simm.s32 @p1 $0x1;
	p0 =	seq.s32 s7, s2  }
0x1e: {  	s7 =	smul.u32 @!p0 $0xF7A, s2;
	p2 =	seq.s32 @!p0 s5, $0x0  }
0x1f: {  	s9 =	smul.u32 $0xF7A, s1;
	s8 =	simm.s32 @!p0 $0x1BF5;
	p2 =	por !p2, p0  }
0x20: {  	[sflag:s8] =	ssyncset.s32 @!p0 $0xFFFFF086;
	s6 =	sadd.s32 @!p0 s3, s7;
	s7 =	simm.s32 @!p0 $0x108  }
0x21: {  	s3 =	sadd.s32 s3, s9;
	s6 =	sadd.s32 @!p0 $0x88, s6;
	s7 =	simm.s32 @p2 $0x1082  }
0x22: {  	[simem:s7], [sflag:s8] =	dma.local @!p0 [hbm:s6], $0xF7A  }
0x23: {  	s9 =	sor.u32 $0xD0000000, s2;
	s6 =	simm.s32 $0x108;
	_ =	swait.ge @!p0 [sflag:s8], $0x0  }
0x24: {  	s3 =	sadd.s32 $0x88, s3;
	s6 =	simm.s32 @!p1 $0x1082;
	[sflag:s4] =	ssyncset.s32 $0xFFFFF086  }
0x25: {  	[simem:s6], [sflag:s4] =	dma.local [hbm:s3], $0xF7A  }
0x26: {  	[smem:$0x3F9E] =	sst s1;
	(tag) =	ssettag s2;
	_ =	strace s9  }
0x27: {  	s1 =	sld [smem:$0x3FAE]  }
0x28: {  	s2 =	sld [smem:$0x3FAF]  }
0x29: {  	s4 =	sld [smem:$0x3FB1]  }
0x2a: {  	p0 =	seq.s32 s5, $0x0;
	s5 =	sld [smem:$0x3FB2]  }
0x2b: {  	s6 =	sld [smem:$0x3FB3]  }
0x2c: {  	s7 =	sld [smem:$0x3FB4]  }
0x2d: {  	s3 =	simm.s32 $0x108;
	s8 =	sld [smem:$0x3FB5]  }
0x2e: {  	s3 =	simm.s32 @!p0 $0x1082;
	s9 =	sld [smem:$0x3FB6]  }
0x2f: {  	lr =	sadd.s32 s0, s3;
	s0 =	sld [smem:$0x3FAD]  }
0x30: {  	s3 =	sld [smem:$0x3FB0]  }
0x31: {  	[smem:$0x3FB9] =	sst s10  }
0x32: {  	s10 =	sld [smem:$0x3FB7];
	_ =	sdelay $0x3  }
0x33: {  	p0 =	seq.s32 s10, $0x1;
	s10 =	sld [smem:$0x3FB9];
	_ =	sdelay $0x3  }
0x34: {  	[smem:$0x3FB9] =	sst s10  }
0x35: {  	s10 =	sld [smem:$0x3FB8];
	_ =	sdelay $0x3  }
0x36: {  	p1 =	seq.s32 s10, $0x1;
	s10 =	sld [smem:$0x3FB9];
	_ =	sdelay $0x3  }
0x37: {  	[smem:$0x3FB9] =	sst s10  }
0x38: {  	s10 =	sld [smem:$0x3FBA]  }
0x39: {  	_ = 	snop;
	(pc) =	sbr.ind lr, $3  }
0x3a: {  	_ = 	snop  }
0x3b: {  	_ = 	snop  }
0x3c: {  	p2 =	seq.s32 s10, $0x1;
	s10 =	sld [smem:$0x3FB9]  }
0x3d: {  	_ =	shalt  }
0x3e: {  	_ =	shalt  }
0x3f: {  	_ =	shalt  }
0x40: {  	_ =	shalt  }
0x41: {  	_ =	shalt  }
0x42: {  	_ =	shalt  }
0x43: {  	_ =	shalt  }
0x44: {  	_ =	shalt  }
0x45: {  	_ =	shalt  }
0x46: {  	_ =	shalt  }
0x47: {  	_ =	shalt  }
0x48: {  	_ =	shalt  }
0x49: {  	_ =	shalt  }
0x4a: {  	_ =	shalt  }
0x4b: {  	_ =	shalt  }
0x4c: {  	_ =	shalt  }
0x4d: {  	_ =	shalt  }
0x4e: {  	_ =	shalt  }
0x4f: {  	_ =	shalt  }
0x50: {  	_ =	shalt  }
0x51: {  	_ =	shalt  }
0x52: {  	_ =	shalt  }
0x53: {  	_ =	shalt  }
0x54: {  	_ =	shalt  }
0x55: {  	_ =	shalt  }
0x56: {  	_ =	shalt  }
0x57: {  	_ =	shalt  }
0x58: {  	_ =	shalt  }
0x59: {  	_ =	shalt  }
0x5a: {  	_ =	shalt  }
0x5b: {  	_ =	shalt  }
0x5c: {  	_ =	shalt  }
0x5d: {  	_ =	shalt  }
0x5e: {  	_ =	shalt  }
0x5f: {  	_ =	shalt  }
0x60: {  	_ =	shalt  }
0x61: {  	_ =	shalt  }
0x62: {  	_ =	shalt  }
0x63: {  	_ =	shalt  }
0x64: {  	_ =	shalt  }
0x65: {  	_ =	shalt  }
0x66: {  	_ =	shalt  }
0x67: {  	_ =	shalt  }
0x68: {  	_ =	shalt  }
0x69: {  	_ =	shalt  }
0x6a: {  	_ =	shalt  }
0x6b: {  	_ =	shalt  }
0x6c: {  	_ =	shalt  }
0x6d: {  	_ =	shalt  }
0x6e: {  	_ =	shalt  }
0x6f: {  	_ =	shalt  }
0x70: {  	_ =	shalt  }
0x71: {  	_ =	shalt  }
0x72: {  	_ =	shalt  }
0x73: {  	_ =	shalt  }
0x74: {  	_ =	shalt  }
0x75: {  	_ =	shalt  }
0x76: {  	_ =	shalt  }
0x77: {  	_ =	shalt  }
0x78: {  	_ =	shalt  }
0x79: {  	_ =	shalt  }
0x7a: {  	_ =	shalt  }
0x7b: {  	_ =	shalt  }
0x7c: {  	_ =	shalt  }
0x7d: {  	_ =	shalt  }
0x7e: {  	_ =	shalt  }
0x7f: {  	_ =	shalt  }
0x80: {  	_ =	shalt  }
0x81: {  	_ =	shalt  }
0x82: {  	_ =	shalt  }
0x83: {  	_ =	shalt  }
0x84: {  	_ =	shalt  }
0x85: {  	_ =	shalt  }
0x86: {  	_ =	shalt  }
0x87: {  	_ =	shalt  }
.Lfunc_end0:
.L_simem_size_0:
called_computation.1_lowered:
.L_overlay_start_0:
0x88: {  	s2 =	sld [smem:$0x3FD9]  }
0x89: {  	s3 =	sld [smem:$0x3FFE];
	_ =	sdelay $0x1  }
0x8a: {  	s1 =	srdreg.scid  }
0x8b: {  	s0 =	sand.u32 $0x1, s1  }
0x8c: {  	s17 =	sshll.u32 s0, $0xA;
	s2 =	sadd.s32 s3, s2  }
0x8d: {  	s2 =	sadd.s32 s2, s17  }
0x8e: {  	[smem:$0x3FC5] =	sst s2  }
0x8f: {  	_ = 	snop  }
0x90: {  	s2 =	sld [smem:$0x3FD0];
	(tm) =	ssettm $0x1  }
0x91: {  	s18 =	sld [smem:$0x3FFB];
	_ =	sdelay $0x3  }
0x92: {  	_ =	strace s18  }
0x93: {  	s3 =	sld [smem:$0x3FFC];
	_ =	sdelay $0x3  }
0x94: {  	_ =	strace s3  }
0x95: {  	s3 =	sld [smem:$0x3FFD];
	_ =	sdelay $0x3  }
0x96: {  	_ =	strace s3  }
0x97: {  	_ =	strace $0x8FFFFFFF  }
0x98: {  	s19 =	sld [smem:$0x3FDB];
	_ =	sdelay $0x1  }
0x99: {  	s4 =	simm.s32 $_scs_section_size  }
0x9a: {  	s5 =	simm.s32 $_size__tile_overlayer_lowered;
	s6 =	simm.s32 $_tile_overlayer_lowered  }
0x9b: {  	s22 =	simm.s32 $0x1BFF;
	s21 =	sshll.u32 s6, $0x1;
	s3 =	sadd.s32 s4, s19  }
0x9c: {  	s7 =	simm.s32 $0x0;
	s20 =	sshll.u32 s5, $0x1;
	s5 =	sadd.s32 s21, s3  }
0x9d: {  	[timem:s7], [sflag:s22] =	dma.local [hbm:s5], s20  }
0x9e: {  	_ =	swait.ge [sflag:s22], s20  }
0x9f: {  	s4 =	ssub.s32 $0x0, s20;
	[sflag:s22] =	ssyncset.done $0x0  }
0xa0: {  	[sflag:s22] =	ssyncadd.s32 s4;
	_ =	sdelay $0x1  }
0xa1: {  	s23 =	simm.s32 $0x1B8B  }
0xa2: {  	_ =	swait.ge [sflag:s23], $0x1  }
0xa3: {  	[sflag:s23] =	ssyncset.done $0x0  }
0xa4: {  	s25 =	simm.s32 $0x1B8E;
	s24 =	sld [smem:$0x3FFE];
	[sflag:s23] =	ssyncadd.s32 $0xFFFFFFFF  }
0xa5: {  	s26 =	simm.s32 $execute0_lowered;
	[smem:$0x3FD2] =	sst s25  }
0xa6: {  	s5 =	sshll.u32 s26, $0x1;
	_ =	strace $0x80000046;
	[dreg:$0x1] =	wrdreg $0xFFFFFFFF  }
0xa7: {  	s28 =	simm.s32 $_size_execute0_lowered;
	s3 =	sadd.s32 s3, s5;
	[dreg:$0x0] =	wrdreg $0x0  }
0xa8: {  	s5 =	sshll.u32 s28, $0x1;
	[dreg:$0x2] =	wrdreg s3  }
0xa9: {  	[dreg:$0x3] =	wrdreg s5  }
0xaa: {  	[dreg:$0x4] =	wrdreg $0xC0  }
0xab: {  	_ =	task [dreg:s7], $0x5FFFF  }
0xac: {  	[dreg:$0x1] =	wrdreg $0xFFFFFFFF  }
0xad: {  	[dreg:$0x0] =	wrdreg $0x60  }
0xae: {  	[dreg:$0x2] =	wrdreg s24  }
0xaf: {  	[dreg:$0x3] =	wrdreg s2  }
0xb0: {  	[dreg:$0x4] =	wrdreg $0x9  }
0xb1: {  	_ =	task.clear_ibuf [dreg:s7], $0x5FFFF;
	_ =	strace $0x90000046  }
0xb2: {  	s29 =	simm.s32 $0x9;
	_ =	strace $0x80000048  }
0xb3: {  	_ =	swait.ge [sflag:s29], $0x1  }
0xb4: {  	[sflag:s29] =	ssyncadd.s32 $0xFFFFFFFF  }
0xb5: {  	_ =	strace $0x90000048  }
0xb6: {  	_ =	sfence  }
0xb7: {  	s30 =	sld [smem:$0x0];
	_ =	sdelay $0x2  }
0xb8: {  	s31 =	sshll.u32 s1, $0xD;
	s1 =	sshrl.u32 s1, $0x2  }
0xb9: {  	s3 =	sand.u32 $0x4000, s31;
	s1 =	sadd.s32 s1, s30  }
0xba: {  	s0 =	sor.u32 s3, s0;
	s1 =	sshll.u32 s1, $0x11  }
0xbb: {  	s0 =	sor.u32 s1, s0  }
0xbc: {  	s0 =	sadd.s32 $0x8F2B, s0  }
0xbd: {  	[sflag:s0] =	ssyncadd.remote.s32 $0x1  }
0xbe: {  	_ =	sfence.sel $0xFFFF  }
0xbf: {  	[dreg:$0x0] =	wrdreg $0xFFFFFFFF;
	(pc) =	sbr.abs _section_cstart, $3  }
0xc0: {  	[dreg:$0x1] =	wrdreg $0xFFFFFFFF  }
0xc1: {  	_ =	task.clear_ibuf [dreg:s7], $0x2FFFF;
	_ =	strace $0x9FFFFFFF  }
0xc2: {  	(tm) =	ssettm $0x7FFFFFFF  }
0xc3: {  	_ =	shalt  }
tec
execute0_lowered:
.L_overlay_start_1:
0x0: {  	(tag) =	ssettag $0x1  }
0x1: {  	s0 =	rddreg [dreg:$0x0]  }
0x2: {  	s1 =	rddreg [dreg:$0x1];
	s3 =	simm.s32 $0x0;
	s2 =	srdreg.scid  }
0x3: {  	s10 =	stileid.u32;
	s14 =	simm.s32 $0x400;
	s15 =	simm.s32 $0x3  }
0x4: {  	s16 =	simm.s32 $0x600;
	s17 =	simm.s32 $0x1A0;
	s18 =	simm.s32 $0x980  }
0x5: {  	s19 =	simm.s32 $0x200;
	s20 =	simm.s32 $0xE180;
	s21 =	simm.s32 $0x1  }
0x6: {  	s22 =	simm.s32 $0x2;
	s23 =	simm.s32 $0x0;
	[smem:$0x7FF] =	sst s3  }
0x7: {  	s4 =	sadd.s32 $0xA00, s0;
	s2 =	sand.u32 $0x1, s2;
	s7 =	sshll.u32 s10, $0x1  }
0x8: {  	s5 =	sadd.s32 $0x27ACE00, s0;
	s6 =	sadd.s32 $0x800, s0;
	s10 =	sshll.u32 s10, $0x13  }
0x9: {  	_ =	strace $0x80000047;
	s8 =	sor.u32 s2, s7;
	s31 =	ssub.s32 $0x2, s2  }
0xa: {  	s2 =	sshll.u32 s2, $0x12;
	s8 =	smul.u32 $0x3400, s8;
	s9 =	sshrl.u32 s31, $0x1  }
0xb: {  	s7 =	sadd.s32 $0x27AD000, s0;
	s0 =	ssub.s32 s31, s9;
	s9 =	sor.u32 s2, s10  }
0xc: {  	s11 =	sshrl.u32 s8, $0x3;
	s2 =	sadd.s32 s9, s7;
	s12 =	smax.u32 s0, $0x1  }
0xd: {  	s10 =	sadd.s32 s1, s11;
	s11 =	sor.u32 $0x340, s8;
	s13 =	sadd.s32 $0x2000, s2  }
.LBB2_1:
0xe: {  	[tilespmem:s14], [sflag:$0x3] =	stream.linear.gather [hbm4b:s5+s3], $0x200, $0x38;
	[tilespmem:$0x1B980] =	vst v63  }
0xf: {  	_ =	swait.ge [sflag:s15], $0x200  }
0x10: {  	[sflag:s15] =	ssyncset.done $0x0  }
0x11: {  	[sflag:s15] =	ssyncadd.s32 $0xFFFFFE00  }
0x12: {  	[tilespmem:s16], [sflag:$0x3] =	stream.linear.gather [hbm4b:s6+s3], $0x380, $0x38;
	[tilespmem:$0x1B980] =	vst v63  }
0x13: {  	_ =	swait.ge [sflag:s15], $0x380  }
0x14: {  	[sflag:s15] =	ssyncset.done $0x0  }
0x15: {  	[sflag:s15] =	ssyncadd.s32 $0xFFFFFC80  }
0x16: {  	[tilespmem:s3], [sflag:$0x3] =	stream.linear.gather [hbm4b:s10+s3], $0x1A0, $0x38;
	[tilespmem:$0x1B980] =	vst v63  }
0x17: {  	_ =	swait.ge [sflag:s15], $0x1A0  }
0x18: {  	[sflag:s15] =	ssyncset.done $0x0  }
0x19: {  	s0 =	simm.s32 $0x0;
	[sflag:s15] =	ssyncadd.s32 $0xFFFFFE60  }
0x1a: {  	s2 =	simm.s32 $0x40;
	v0 =	vld [tilespmem:s0+$0x400]  }
.LBB2_2:
0x1b: {  	p0 =	sne.s32 s2, $0x640;
	v1 =	vld [tilespmem:s0+$0x0];
	_ =	sdelay $0x1  }
.Ltmp0:
0x1c: {  	(pc) =	sbr.rel @p0 .LBB2_2-.Ltmp0, $3  }
0x1d: {  	_ =	sdelay $0x1  }
0x1e: {  	s24 =	sshra.s32 s2, $0x2;
	v1 =	vadd.s32 v1, v0  }
0x1f: {  	s2 =	sadd.s32 $0x40, s2;
	v0 =	vld [tilespmem:s24+$0x400];
	[tilespmem:s0+$0x0] =	vst v1;
	s0 =	smov.u32 s24  }
0x20: {  	v1 =	vld [tilespmem:s0+$0x0];
	_ =	sdelay $0x4  }
0x21: {  	s24 =	simm.s32 $0x0;
	v0 =	vadd.s32 v1, v0  }
0x22: {  	s25 =	smov.u32 s13;
	s26 =	smov.u32 s9;
	s28 =	simm.s32 $0x0;
	[tilespmem:s0+$0x0] =	vst v0  }
0x23: {  	[tilespmem:s18], [sflag:$0x1] =	stream.indirect.gather [hbm4b:s4+s17], $0x80, s24, s17, $0xb8;
	[tilespmem:$0x1B980] =	vst v63  }
.LBB2_4:
0x24: {  	s0 =	sshllo.u32 s28, $0x1  }
0x25: {  	s0 =	smul.u32 $0x1A0, s0;
	_ =	sdelay $0x1  }
0x26: {  	s0 =	sadd.s32 s8, s0  }
0x27: {  	s0 =	sshrl.u32 s0, $0x3  }
0x28: {  	s0 =	sadd.s32 s1, s0  }
0x29: {  	[tilespmem:s19], [sflag:$0x3] =	stream.linear.gather [hbm4b:s0+s24], $0x1A0, $0x38;
	[tilespmem:$0x1B980] =	vst v63  }
0x2a: {  	_ =	swait.ge [sflag:s15], $0x1A0  }
0x2b: {  	[sflag:s15] =	ssyncset.done $0x0  }
0x2c: {  	s0 =	simm.s32 $0x0;
	[sflag:s15] =	ssyncadd.s32 $0xFFFFFE60  }
0x2d: {  	s2 =	simm.s32 $0x40;
	v0 =	vld [tilespmem:s0+$0x400]  }
.LBB2_5:
0x2e: {  	p0 =	sne.s32 s2, $0x640;
	v1 =	vld [tilespmem:s0+$0x200];
	_ =	sdelay $0x1  }
.Ltmp1:
0x2f: {  	(pc) =	sbr.rel @p0 .LBB2_5-.Ltmp1, $3  }
0x30: {  	_ =	sdelay $0x1  }
0x31: {  	s29 =	sshra.s32 s2, $0x2;
	v1 =	vadd.s32 v1, v0  }
0x32: {  	s2 =	sadd.s32 $0x40, s2;
	v0 =	vld [tilespmem:s29+$0x400];
	[tilespmem:s0+$0x200] =	vst v1;
	s0 =	smov.u32 s29  }
0x33: {  	v1 =	vld [tilespmem:s0+$0x200];
	_ =	sdelay $0x4  }
0x34: {  	v0 =	vadd.s32 v1, v0  }
0x35: {  	[tilespmem:s0+$0x200] =	vst v0  }
0x36: {  	[tilespmem:s20], [sflag:$0x2] =	stream.indirect.gather [hbm4b:s4+s17], $0x80, s19, s17, $0xb8;
	[tilespmem:$0x1B980] =	vst v63  }
0x37: {  	_ =	swait.ge [sflag:s21], $0xD000  }
0x38: {  	[sflag:s21] =	ssyncset.done $0x0  }
0x39: {  	s29 =	simm.s32 $0x0;
	s30 =	simm.s32 $0x980;
	[sflag:s21] =	ssyncadd.s32 $0xFFFF3000  }
.LBB2_7:
0x3a: {  	v0 =	vmov s30;
	_ =	sdelay $0x1  }
0x3b: {  	s0 =	sshll.u32 s29, $0x5  }
0x3c: {  	s0 =	sand.u32 $0x3FFFFFE0, s0  }
0x3d: {  	s31 =	simm.s32 $0x0;
	v1 =	vld [tilespmem:s0+$0x600]  }
0x3e: {  	v2 =	vld.idx.msk [tilespmem:v0+s31+$0x0 ss:$0x1], $0xffff;
	_ =	sdelay $0x4  }
0x3f: {  	v3 =	vadd.f32 v2, v1;
	_ =	sdelay $0x1  }
0x40: {  	v2 =	vld [tilespmem:s0+$0x610];
	[tilespmem:v0+s31+$0x0 ss:$0x1] =	vst.idx.msk $0xffff, v3  }
0x41: {  	v3 =	vld.idx.msk [tilespmem:v0+s31+$0x10 ss:$0x1], $0xffff;
	_ =	sdelay $0x4  }
0x42: {  	s2 =	simm.s32 $0x6800;
	s0 =	simm.s32 $0x3400;
	v3 =	vadd.f32 v3, v2  }
.LBB2_8:
0x43: {  	p0 =	sne.s32 s2, $0x30C00  }
0x44: {  	[tilespmem:v0+s31+$0x10 ss:$0x1] =	vst.idx.msk $0xffff, v3;
	s31 =	sshra.s32 s0, $0x2;
	s0 =	smov.u32 s2;
	s2 =	sadd.s32 $0x3400, s2  }
0x45: {  	v3 =	vld.idx.msk [tilespmem:v0+s31+$0x0 ss:$0x1], $0xffff;
	_ =	sdelay $0x5  }
0x46: {  	v3 =	vadd.f32 v3, v1;
	_ =	sdelay $0x1  }
0x47: {  	[tilespmem:v0+s31+$0x0 ss:$0x1] =	vst.idx.msk $0xffff, v3  }
0x48: {  	v3 =	vld.idx.msk [tilespmem:v0+s31+$0x10 ss:$0x1], $0xffff;
	_ =	sdelay $0x1  }
.Ltmp2:
0x49: {  	(pc) =	sbr.rel @p0 .LBB2_8-.Ltmp2, $2  }
0x4a: {  	_ =	sdelay $0x2  }
0x4b: {  	v3 =	vadd.f32 v3, v2  }
0x4c: {  	_ =	sdelay $0x3  }
0x4d: {  	s0 =	sshra.s32 s0, $0x2;
	[tilespmem:v0+s31+$0x10 ss:$0x1] =	vst.idx.msk $0xffff, v3  }
0x4e: {  	v3 =	vld.idx.msk [tilespmem:v0+s0+$0x0 ss:$0x1], $0xffff;
	_ =	sdelay $0x4  }
0x4f: {  	v1 =	vadd.f32 v3, v1;
	_ =	sdelay $0x1  }
0x50: {  	[tilespmem:v0+s0+$0x0 ss:$0x1] =	vst.idx.msk $0xffff, v1  }
0x51: {  	v1 =	vld.idx.msk [tilespmem:v0+s0+$0x10 ss:$0x1], $0xffff  }
0x52: {  	s29 =	sadd.s32 $0x1, s29  }
0x53: {  	p0 =	sne.s32 s29, $0x1A  }
.Ltmp3:
0x54: {  	_ = 	snop;
	(pc) =	sbr.rel @p0 .LBB2_7-.Ltmp3, $3  }
0x55: {  	_ = 	snop  }
0x56: {  	v1 =	vadd.f32 v1, v2;
	_ =	sdelay $0x1  }
0x57: {  	s30 =	sadd.s32 $0x80, s30;
	[tilespmem:v0+s0+$0x10 ss:$0x1] =	vst.idx.msk $0xffff, v1  }
0x58: {  	s0 =	sadd.s32 $0x0, s26  }
0x59: {  	s2 =	sand.u32 $0x1FFFDE00, s0  }
0x5a: {  	s0 =	simm.s32 $0x980;
	s2 =	sadd.s32 s7, s2  }
0x5b: {  	[hbm4b:s2+s3] =	stream.linear.scatter [tilespmem:s0], [sflag:$0x3], $0x1000, $0x38;
	[tilespmem:$0x1B980] =	vst v63  }
0x5c: {  	s2 =	simm.s32 $0x200;
	_ =	swait.ge [sflag:s15], $0x1000  }
.LBB2_11:
0x5d: {  	s29 =	sadd.s32 s2, s26  }
0x5e: {  	[sflag:s15] =	ssyncset.done $0x0;
	s0 =	sadd.s32 $0xD00, s0;
	p0 =	sne.s32 s2, $0x1E00  }
.Ltmp4:
0x5f: {  	s29 =	sand.u32 $0x1FFFDE00, s29;
	[sflag:s15] =	ssyncadd.s32 $0xFFFFF000;
	(pc) =	sbr.rel @p0 .LBB2_11-.Ltmp4, $4  }
0x60: {  	s2 =	sadd.s32 $0x200, s2;
	s29 =	sadd.s32 s7, s29  }
0x61: {  	[hbm4b:s29+s3] =	stream.linear.scatter [tilespmem:s0], [sflag:$0x3], $0x1000, $0x38;
	[tilespmem:$0x1B980] =	vst v63  }
0x62: {  	_ = 	snop  }
0x63: {  	_ =	swait.ge [sflag:s15], $0x1000  }
0x64: {  	p0 =	seq.s32 s28, $0xF  }
.Ltmp5:
0x65: {  	_ = 	snop;
	(pc) =	sbr.rel @p0 .LBB2_16-.Ltmp5, $3  }
0x66: {  	_ =	sdelay $0x1  }
0x67: {  	[sflag:s15] =	ssyncset.done $0x0  }
0x68: {  	[sflag:s15] =	ssyncadd.s32 $0xFFFFF000  }
0x69: {  	s0 =	smul.u32 $0x340, s28;
	_ =	sdelay $0x1  }
0x6a: {  	s0 =	sadd.s32 s0, s11  }
0x6b: {  	s0 =	sshrl.u32 s0, $0x3  }
0x6c: {  	s2 =	simm.s32 $0x0;
	s0 =	sadd.s32 s1, s0  }
0x6d: {  	[tilespmem:s2], [sflag:$0x3] =	stream.linear.gather [hbm4b:s0+s2], $0x1A0, $0x38;
	[tilespmem:$0x1B980] =	vst v63  }
0x6e: {  	_ =	swait.ge [sflag:s15], $0x1A0  }
0x6f: {  	[sflag:s15] =	ssyncset.done $0x0  }
0x70: {  	s0 =	simm.s32 $0x0;
	[sflag:s15] =	ssyncadd.s32 $0xFFFFFE60  }
0x71: {  	s2 =	simm.s32 $0x40;
	v0 =	vld [tilespmem:s0+$0x400]  }
.LBB2_14:
0x72: {  	p0 =	sne.s32 s2, $0x640;
	v1 =	vld [tilespmem:s0+$0x0];
	_ =	sdelay $0x1  }
.Ltmp6:
0x73: {  	(pc) =	sbr.rel @p0 .LBB2_14-.Ltmp6, $3  }
0x74: {  	_ =	sdelay $0x1  }
0x75: {  	s29 =	sshra.s32 s2, $0x2;
	v1 =	vadd.s32 v1, v0  }
0x76: {  	s2 =	sadd.s32 $0x40, s2;
	v0 =	vld [tilespmem:s29+$0x400];
	[tilespmem:s0+$0x0] =	vst v1;
	s0 =	smov.u32 s29  }
0x77: {  	v1 =	vld [tilespmem:s0+$0x0];
	_ =	sdelay $0x4  }
0x78: {  	v0 =	vadd.s32 v1, v0  }
0x79: {  	[tilespmem:s0+$0x0] =	vst v0  }
0x7a: {  	[tilespmem:s18], [sflag:$0x1] =	stream.indirect.gather [hbm4b:s4+s17], $0x80, s3, s17, $0xb8;
	[tilespmem:$0x1B980] =	vst v63  }
.LBB2_16:
0x7b: {  	_ =	swait.ge [sflag:s22], $0xD000  }
0x7c: {  	[sflag:s22] =	ssyncset.done $0x0  }
0x7d: {  	s29 =	simm.s32 $0x0;
	s30 =	simm.s32 $0xE180;
	[sflag:s22] =	ssyncadd.s32 $0xFFFF3000  }
.LBB2_17:
0x7e: {  	v0 =	vmov s30;
	_ =	sdelay $0x1  }
0x7f: {  	s0 =	sshll.u32 s29, $0x5  }
0x80: {  	s0 =	sand.u32 $0x3FFFFFE0, s0  }
0x81: {  	s31 =	simm.s32 $0x0;
	v1 =	vld [tilespmem:s0+$0x600]  }
0x82: {  	v2 =	vld.idx.msk [tilespmem:v0+s31+$0x0 ss:$0x1], $0xffff;
	_ =	sdelay $0x4  }
0x83: {  	v3 =	vadd.f32 v2, v1;
	_ =	sdelay $0x1  }
0x84: {  	v2 =	vld [tilespmem:s0+$0x610];
	[tilespmem:v0+s31+$0x0 ss:$0x1] =	vst.idx.msk $0xffff, v3  }
0x85: {  	v3 =	vld.idx.msk [tilespmem:v0+s31+$0x10 ss:$0x1], $0xffff;
	_ =	sdelay $0x4  }
0x86: {  	s2 =	simm.s32 $0x6800;
	s0 =	simm.s32 $0x3400;
	v3 =	vadd.f32 v3, v2  }
.LBB2_18:
0x87: {  	p0 =	sne.s32 s2, $0x30C00  }
0x88: {  	[tilespmem:v0+s31+$0x10 ss:$0x1] =	vst.idx.msk $0xffff, v3;
	s31 =	sshra.s32 s0, $0x2;
	s0 =	smov.u32 s2;
	s2 =	sadd.s32 $0x3400, s2  }
0x89: {  	v3 =	vld.idx.msk [tilespmem:v0+s31+$0x0 ss:$0x1], $0xffff;
	_ =	sdelay $0x5  }
0x8a: {  	v3 =	vadd.f32 v3, v1;
	_ =	sdelay $0x1  }
0x8b: {  	[tilespmem:v0+s31+$0x0 ss:$0x1] =	vst.idx.msk $0xffff, v3  }
0x8c: {  	v3 =	vld.idx.msk [tilespmem:v0+s31+$0x10 ss:$0x1], $0xffff;
	_ =	sdelay $0x1  }
.Ltmp7:
0x8d: {  	(pc) =	sbr.rel @p0 .LBB2_18-.Ltmp7, $2  }
0x8e: {  	_ =	sdelay $0x2  }
0x8f: {  	v3 =	vadd.f32 v3, v2  }
0x90: {  	_ =	sdelay $0x3  }
0x91: {  	s0 =	sshra.s32 s0, $0x2;
	[tilespmem:v0+s31+$0x10 ss:$0x1] =	vst.idx.msk $0xffff, v3  }
0x92: {  	v3 =	vld.idx.msk [tilespmem:v0+s0+$0x0 ss:$0x1], $0xffff;
	_ =	sdelay $0x4  }
0x93: {  	v1 =	vadd.f32 v3, v1;
	_ =	sdelay $0x1  }
0x94: {  	[tilespmem:v0+s0+$0x0 ss:$0x1] =	vst.idx.msk $0xffff, v1  }
0x95: {  	v1 =	vld.idx.msk [tilespmem:v0+s0+$0x10 ss:$0x1], $0xffff  }
0x96: {  	s29 =	sadd.s32 $0x1, s29  }
0x97: {  	p0 =	sne.s32 s29, $0x1A  }
.Ltmp8:
0x98: {  	_ = 	snop;
	(pc) =	sbr.rel @p0 .LBB2_17-.Ltmp8, $3  }
0x99: {  	_ = 	snop  }
0x9a: {  	v1 =	vadd.f32 v1, v2;
	_ =	sdelay $0x1  }
0x9b: {  	s30 =	sadd.s32 $0x80, s30;
	[tilespmem:v0+s0+$0x10 ss:$0x1] =	vst.idx.msk $0xffff, v1  }
0x9c: {  	s0 =	simm.s32 $0xE180;
	s2 =	sadd.s32 $0x0, s25  }
0x9d: {  	[hbm4b:s2+s3] =	stream.linear.scatter [tilespmem:s0], [sflag:$0x3], $0x1000, $0x38;
	[tilespmem:$0x1B980] =	vst v63  }
0x9e: {  	_ =	swait.ge [sflag:s15], $0x1000  }
0x9f: {  	s2 =	simm.s32 $0x200;
	[sflag:s15] =	ssyncset.done $0x0  }
.LBB2_21:
0xa0: {  	s29 =	sadd.s32 s2, s25  }
0xa1: {  	[sflag:s15] =	ssyncadd.s32 $0xFFFFF000;
	s0 =	sadd.s32 $0xD00, s0;
	p0 =	sne.s32 s2, $0x1E00  }
0xa2: {  	[hbm4b:s29+s3] =	stream.linear.scatter [tilespmem:s0], [sflag:$0x3], $0x1000, $0x38;
	[tilespmem:$0x1B980] =	vst v63  }
.Ltmp9:
0xa3: {  	_ = 	snop;
	(pc) =	sbr.rel @p0 .LBB2_21-.Ltmp9, $4  }
0xa4: {  	_ = 	snop  }
0xa5: {  	s2 =	sadd.s32 $0x200, s2  }
0xa6: {  	_ =	swait.ge [sflag:s15], $0x1000  }
0xa7: {  	[sflag:s15] =	ssyncset.done $0x0  }
0xa8: {  	s28 =	sadd.s32 $0x1, s28  }
0xa9: {  	p0 =	sne.s32 s28, $0x10  }
.Ltmp10:
0xaa: {  	_ = 	snop;
	(pc) =	sbr.rel @p0 .LBB2_4-.Ltmp10, $2  }
0xab: {  	_ =	sdelay $0x2  }
0xac: {  	[sflag:s15] =	ssyncadd.s32 $0xFFFFF000;
	s26 =	sadd.s32 $0x4000, s26;
	s25 =	sadd.s32 $0x4000, s25  }
0xad: {  	s23 =	sadd.s32 $0x1, s23  }
0xae: {  	p0 =	sne.s32 s23, s12  }
.Ltmp11:
0xaf: {  	_ = 	snop;
	(pc) =	sbr.rel @p0 .LBB2_1-.Ltmp11, $1  }
0xb0: {  	_ =	sdelay $0x3  }
0xb1: {  	_ =	sfence.sel $0x180000  }
0xb2: {  	[bflag:$0x0] =	sbarrier.arrive $0xFFFF  }
0xb3: {  	_ =	strace $0x90000047  }
0xb4: {  	s0 =	stileid.u32;
	[bflag:$0x2] =	sbarrier.arrive $0xFFFF  }
0xb5: {  	p0 =	sne.s32 s0, $0x0;
	s0 =	rddreg [dreg:$0x2]  }
0xb6: {  	s0 =	sadd.s32 @!p0 $0x100000, s0  }
0xb7: {  	[sflag:s0] =	ssyncadd.tile.s32 @!p0 $0x1;
	_ =	shalt  }
.Lfunc_end2:
_tile_overlayer_lowered:
.L_overlay_start_2:
0xb8: {  	(tag) =	ssettag $0x2  }
0xb9: {  	s0 =	rddreg [dreg:$0x0];
	s2 =	stileid.u32  }
0xba: {  	s1 =	rddreg [dreg:$0x1];
	p0 =	sne.s32 s2, $0x0  }
0xbb: {  	s3 =	rddreg [dreg:$0x2];
	[bflag:$0x3] =	sbarrier.arrive $0xFFFF;
	s2 =	simm.s32 @!p0 $0x1C03  }
0xbc: {  	[timem:s3], [sflag:s2] =	dma.local @!p0 [hbm:s0], s1  }
0xbd: {  	s0 =	simm.s32 @!p0 $0x3  }
0xbe: {  	_ =	swait.ge @!p0 [sflag:s0], s1  }
0xbf: {  	s1 =	ssub.s32 @!p0 $0x0, s1;
	[sflag:s0] =	ssyncset.done @!p0 $0x0  }
0xc0: {  	[sflag:s0] =	ssyncadd.s32 @!p0 s1  }
0xc1: {  	[bflag:$0x3] =	sbarrier.arrive $0xFFFF  }
0xc2: {  	_ =	shalt  }

// kernel: sparse-core-data-format-call.cloned.1.call-start
scs
called_computation_lowered:
.L_overlay_start_0:
0x0: {  	s2 =	sld [smem:$0x3FD9]  }
0x1: {  	s3 =	sld [smem:$0x3FFE];
	_ =	sdelay $0x1  }
0x2: {  	s1 =	srdreg.scid  }
0x3: {  	s0 =	sand.u32 $0x1, s1  }
0x4: {  	s18 =	sshll.u32 s0, $0xA;
	s2 =	sadd.s32 s3, s2  }
0x5: {  	s2 =	sadd.s32 s2, s18  }
0x6: {  	[smem:$0x3FC5] =	sst s2  }
0x7: {  	_ = 	snop  }
0x8: {  	s2 =	sld [smem:$0x3FD0];
	(tm) =	ssettm $0x1  }
0x9: {  	s19 =	sld [smem:$0x3FFB];
	_ =	sdelay $0x3  }
0xa: {  	_ =	strace s19  }
0xb: {  	s3 =	sld [smem:$0x3FFC];
	_ =	sdelay $0x3  }
0xc: {  	_ =	strace s3  }
0xd: {  	s3 =	sld [smem:$0x3FFD];
	_ =	sdelay $0x3  }
0xe: {  	_ =	strace s3  }
0xf: {  	_ =	strace $0x8FFFFFFF  }
0x10: {  	s20 =	sld [smem:$0x3FDB];
	_ =	sdelay $0x1  }
0x11: {  	s4 =	simm.s32 $_scs_section_size  }
0x12: {  	s5 =	simm.s32 $_size__tile_overlayer_lowered;
	s6 =	simm.s32 $_tile_overlayer_lowered  }
0x13: {  	s23 =	simm.s32 $0x1BFF;
	s22 =	sshll.u32 s6, $0x1;
	s3 =	sadd.s32 s4, s20  }
0x14: {  	s7 =	simm.s32 $0x0;
	s21 =	sshll.u32 s5, $0x1;
	s5 =	sadd.s32 s22, s3  }
0x15: {  	[timem:s7], [sflag:s23] =	dma.local [hbm:s5], s21  }
0x16: {  	_ =	swait.ge [sflag:s23], s21  }
0x17: {  	s4 =	ssub.s32 $0x0, s21;
	[sflag:s23] =	ssyncset.done $0x0  }
0x18: {  	[sflag:s23] =	ssyncadd.s32 s4;
	_ =	sdelay $0x1  }
0x19: {  	s24 =	simm.s32 $0x1B8B  }
0x1a: {  	_ =	swait.ge [sflag:s24], $0x1  }
0x1b: {  	[sflag:s24] =	ssyncset.done $0x0  }
0x1c: {  	s26 =	simm.s32 $0x1B8E;
	s25 =	sld [smem:$0x3FFE];
	[sflag:s24] =	ssyncadd.s32 $0xFFFFFFFF  }
0x1d: {  	s27 =	simm.s32 $execute0_lowered;
	[smem:$0x3FD2] =	sst s26  }
0x1e: {  	s5 =	sshll.u32 s27, $0x1;
	_ =	strace $0x80000049;
	[dreg:$0x1] =	wrdreg $0xFFFFFFFF  }
0x1f: {  	s28 =	simm.s32 $_size_execute0_lowered;
	s3 =	sadd.s32 s3, s5;
	[dreg:$0x0] =	wrdreg $0x0  }
0x20: {  	s5 =	sshll.u32 s28, $0x1;
	[dreg:$0x2] =	wrdreg s3  }
0x21: {  	[dreg:$0x3] =	wrdreg s5  }
0x22: {  	[dreg:$0x4] =	wrdreg $0xC0  }
0x23: {  	_ =	task [dreg:s7], $0x5FFFF  }
0x24: {  	[dreg:$0x1] =	wrdreg $0xFFFFFFFF  }
0x25: {  	[dreg:$0x0] =	wrdreg $0x60  }
0x26: {  	[dreg:$0x2] =	wrdreg s25  }
0x27: {  	[dreg:$0x3] =	wrdreg s2  }
0x28: {  	[dreg:$0x4] =	wrdreg $0x9  }
0x29: {  	_ =	task.clear_ibuf [dreg:s7], $0x5FFFF;
	_ =	strace $0x90000049  }
0x2a: {  	s29 =	simm.s32 $0x9;
	_ =	strace $0x8000004B  }
0x2b: {  	_ =	swait.ge [sflag:s29], $0x1  }
0x2c: {  	[sflag:s29] =	ssyncadd.s32 $0xFFFFFFFF  }
0x2d: {  	_ =	strace $0x9000004B  }
0x2e: {  	_ =	sfence  }
0x2f: {  	s30 =	sld [smem:$0x0];
	_ =	sdelay $0x2  }
0x30: {  	s31 =	sshll.u32 s1, $0xD;
	s1 =	sshrl.u32 s1, $0x2  }
0x31: {  	s3 =	sand.u32 $0x4000, s31;
	s1 =	sadd.s32 s1, s30  }
0x32: {  	s0 =	sor.u32 s3, s0;
	s1 =	sshll.u32 s1, $0x11  }
0x33: {  	s0 =	sor.u32 s1, s0  }
0x34: {  	s0 =	sadd.s32 $0x8F2B, s0  }
0x35: {  	[sflag:s0] =	ssyncadd.remote.s32 $0x1  }
0x36: {  	_ =	sfence.sel $0xFFFF  }
0x37: {  	[dreg:$0x0] =	wrdreg $0xFFFFFFFF;
	(pc) =	sbr.abs _section_cstart, $3  }
0x38: {  	[dreg:$0x1] =	wrdreg $0xFFFFFFFF  }
0x39: {  	_ =	task.clear_ibuf [dreg:s7], $0x2FFFF;
	_ =	strace $0x9FFFFFFF  }
0x3a: {  	(tm) =	ssettm $0x7FFFFFFF  }
0x3b: {  	_ =	shalt  }
tec
execute0_lowered:
.L_overlay_start_1:
0x0: {  	(tag) =	ssettag $0x1  }
0x1: {  	s0 =	srdreg.scid  }
0x2: {  	s1 =	sshll.u32 s0, $0x4  }
0x3: {  	s0 =	stileid.u32;
	s1 =	sand.u32 $0x10, s1  }
0x4: {  	s1 =	sor.u32 s0, s1  }
0x5: {  	s6 =	rddreg [dreg:$0x0];
	s4 =	simm.s32 $0x1;
	s2 =	sshll.u32 s1, $0x7  }
0x6: {  	s7 =	simm.s32 $0x2;
	s12 =	simm.s32 $0x0;
	s1 =	ssub.s32 $0x4000, s2  }
0x7: {  	s8 =	simm.s32 $0x20000;
	s13 =	simm.s32 $0x0;
	s3 =	sand.u32 $0xF80, s1  }
0x8: {  	s9 =	simm.s32 $0x0;
	s5 =	sshrl.u32 s1, $0xC;
	p0 =	sne.s32 s3, $0x0  }
.Ltmp0:
0x9: {  	s1 =	rddreg [dreg:$0x2];
	s4 =	simm.s32 @!p0 $0x0;
	(pc) =	sbr.rel .LBB1_1-.Ltmp0, $4  }
0xa: {  	s11 =	simm.s32 $0x0;
	s3 =	rddreg [dreg:$0x1];
	s5 =	sadd.s32 s4, s5  }
0xb: {  	_ =	strace $0x8000004A;
	s4 =	simm.s32 $0x1;
	s5 =	smul.u32 $0x1A, s5  }
0xc: {  	s6 =	sadd.s32 $0x27AD000, s6;
	s10 =	smov.u32 s2;
	[sflag:s4] =	ssyncpa.u1 $0x0  }
0xd: {  	p0 =	por $0x0, $0x0;
	[sflag:s7] =	ssyncpa.u1 $0x0;
	s7 =	sor.u32 $0x1, s5  }
.LBB1_4:
0xe: {  	s16 =	sshll.u32 s13, $0x3;
	s17 =	sand.u32 $0x78, s13  }
0xf: {  	s30 =	sand.u32 $0xF800, s13;
	s12 =	sshll.u32 s12, $0x10;
	s16 =	sand.u32 $0x3C00, s16  }
0x10: {  	s31 =	sand.u32 $0x7, s13;
	s16 =	sor.u32 s17, s16;
	s17 =	sadd.s32 s3, s30  }
0x11: {  	s13 =	sshll.u32 s31, $0x12;
	s16 =	sshrl.u32 s16, $0x3;
	s12 =	sadd.s32 s12, s17  }
0x12: {  	[tilespmem:s15+$0x0 ss:$0x81] =	vst.msk $0xffff, v0;
	s13 =	sor.u32 $0x400, s13;
	s12 =	sadd.s32 s16, s12  }
0x13: {  	[hbm4b:s12+s13] =	stream.strided.scatter [tilespmem:s14], [sflag:$0x2], $0x1000, s8, s13, $0x20;
	[tilespmem:$0x4040] =	vst v63  }
.LBB1_5:
0x14: {  	s14 =	sadd.s32 $0x1, s9  }
0x15: {  	s12 =	sadd.s32 $0x1000, s10;
	s16 =	smov.u32 s10;
	p2 =	sgt.s32 s14, $0x19  }
0x16: {  	s16 =	smov.u32 @p2 s12  }
0x17: {  	s14 =	simm.s32 @p2 $0x0;
	p2 =	sgt.s32 s16, $0x3FFF  }
0x18: {  	s16 =	smov.u32 @p2 s2;
	p2 =	sne.s32 s11, s7  }
.Ltmp1:
0x19: {  	p1 =	slt.u32 s11, $0x2;
	(pc) =	sbr.rel @!p2 .LBB1_6-.Ltmp1, $4  }
0x1a: {  	s15 =	simm.s32 @!p1 $0x2  }
0x1b: {  	s13 =	smov.u32 s10;
	p0 =	por !p0, !p0;
	_ =	swait.ge @!p1 [sflag:s15], $0x1000  }
0x1c: {  	s12 =	smov.u32 s9;
	[sflag:s15] =	ssyncset.done @!p1 $0x0;
	s9 =	smov.u32 s14  }
0x1d: {  	s11 =	sadd.s32 $0x1, s11;
	[sflag:s15] =	ssyncadd.s32 @!p1 $0xFFFFF000;
	s10 =	smov.u32 s16  }
.LBB1_1:
0x1e: {  	p1 =	sge.u32 s11, s5  }
0x1f: {  	s31 =	sadd.s32 $0xFFFFFFFF, s11;
	s14 =	sxor.u32 @!p1 $0xFFFFFFFF, s11  }
0x20: {  	s15 =	sshll.u32 @!p1 s10, $0x9;
	s16 =	sshll.u32 @!p1 s9, $0x4;
	s17 =	simm.s32 @!p1 $0x1000  }
0x21: {  	s14 =	sshll.u32 @!p1 s14, $0xC;
	s16 =	sand.u32 @!p1 $0x1F0, s16;
	s15 =	sadd.s32 @!p1 s6, s15  }
0x22: {  	s14 =	sand.u32 @!p1 $0x1000, s14;
	s15 =	sadd.s32 @!p1 s16, s15;
	s16 =	simm.s32 @!p1 $0x20  }
0x23: {  	[tilespmem:s14], [sflag:$0x1] =	stream.strided.gather @!p1 [hbm4b:s15+s16], $0x1000, s17, s16, $0x38;
	[tilespmem:$0x4040] =	vst v63  }
0x24: {  	p1 =	sge.u32 s31, s5  }
.Ltmp2:
0x25: {  	_ = 	snop;
	(pc) =	sbr.rel @p1 .LBB1_5-.Ltmp2, $1  }
0x26: {  	_ =	sdelay $0x3  }
0x27: {  	s14 =	simm.s32 $0x1  }
0x28: {  	_ =	swait.ge [sflag:s4], $0x1000;
	s14 =	simm.s32 @!p0 $0x0  }
0x29: {  	[sflag:s4] =	ssyncset.done $0x0;
	s15 =	sshll.u32 s14, $0xC  }
0x2a: {  	[sflag:s4] =	ssyncadd.s32 $0xFFFFF000;
	s18 =	sor.u32 $0x10, s15  }
0x2b: {  	s14 =	smul.u32 $0x4080, s14;
	v1 =	vld [tilespmem:s18+$0x0]  }
0x2c: {  	s30 =	sand.u32 $0x1, s11;
	v0 =	vld [tilespmem:s18+$0xFFFFFFF0]  }
0x2d: {  	s15 =	smul.u32 $0x4080, s30;
	s14 =	sshrl.u32 s14, $0x2  }
0x2e: {  	s16 =	sor.u32 $0x2000, s14  }
0x2f: {  	s31 =	sshrl.u32 s15, $0x2;
	s15 =	sadd.s32 $0x0, s16  }
0x30: {  	s17 =	simm.s32 $0x4;
	s18 =	sadd.s32 $0x20, s18;
	s14 =	sor.u32 $0x2000, s31;
	[tilespmem:s15+$0x810 ss:$0x81] =	vst.msk $0xffff, v1  }
.LBB1_3:
0x31: {  	v1 =	vld [tilespmem:s18+$0x0];
	p1 =	sne.s32 s17, $0x1FC;
	[tilespmem:s15+$0x0 ss:$0x81] =	vst.msk $0xffff, v0;
	s15 =	smov.u32 s17;
	s17 =	sadd.s32 $0x4, s17  }
.Ltmp3:
0x32: {  	v0 =	vld [tilespmem:s18+$0xFFFFFFF0];
	(pc) =	sbr.rel @p1 .LBB1_3-.Ltmp3, $4  }
0x33: {  	_ = 	snop  }
0x34: {  	s15 =	sshra.s32 s15, $0x2  }
0x35: {  	s15 =	sadd.s32 s15, s16  }
0x36: {  	s18 =	sadd.s32 $0x20, s18;
	[tilespmem:s15+$0x810 ss:$0x81] =	vst.msk $0xffff, v1  }
.Ltmp4:
0x37: {  	_ = 	snop;
	(pc) =	sbr.rel .LBB1_4-.Ltmp4, $1  }
0x38: {  	_ =	sdelay $0x3  }
.LBB1_6:
0x39: {  	_ =	sfence.sel $0x180000  }
0x3a: {  	s2 =	simm.s32 $0x1;
	[bflag:$0x0] =	sbarrier.arrive $0xFFFF  }
0x3b: {  	s31 =	simm.s32 $0x2;
	[sflag:s2] =	ssyncpa.u1 $0x1  }
0x3c: {  	[sflag:s31] =	ssyncpa.u1 $0x1  }
0x3d: {  	p0 =	sne.s32 s0, $0x0;
	_ =	strace $0x9000004A  }
0x3e: {  	s0 =	sadd.s32 @!p0 $0x100000, s1;
	[bflag:$0x2] =	sbarrier.arrive $0xFFFF  }
0x3f: {  	[sflag:s0] =	ssyncadd.tile.s32 @!p0 $0x1;
	_ =	shalt  }
.Lfunc_end1:
_tile_overlayer_lowered:
.L_overlay_start_2:
0x40: {  	(tag) =	ssettag $0x2  }
0x41: {  	s0 =	rddreg [dreg:$0x0];
	s2 =	stileid.u32  }
0x42: {  	s1 =	rddreg [dreg:$0x1];
	p0 =	sne.s32 s2, $0x0  }
0x43: {  	s3 =	rddreg [dreg:$0x2];
	[bflag:$0x3] =	sbarrier.arrive $0xFFFF;
	s2 =	simm.s32 @!p0 $0x1C01  }
0x44: {  	[timem:s3], [sflag:s2] =	dma.local @!p0 [hbm:s0], s1  }
0x45: {  	s0 =	simm.s32 @!p0 $0x1  }
0x46: {  	_ =	swait.ge @!p0 [sflag:s0], s1  }
0x47: {  	s1 =	ssub.s32 @!p0 $0x0, s1;
	[sflag:s0] =	ssyncset.done @!p0 $0x0  }
0x48: {  	[sflag:s0] =	ssyncadd.s32 @!p0 s1  }
0x49: {  	[bflag:$0x3] =	sbarrier.arrive $0xFFFF  }
0x4a: {  	_ =	shalt  }

</sc_bundles>
